<compile_context>
chip_gen: v7x
topology: tpu7x:2x2x1
jax: 0.10.2.dev20260603
libtpu: 0.0.44.dev20260713+nightly
codegen_flags: <defaults>
</compile_context>

<pallas_src>
import functools

import jax
import jax.numpy as jnp
from jax import lax
from jax.experimental import pallas as pl
from jax.experimental.pallas import tpu as pltpu
from jax.experimental.pallas import tpu_sc as plsc

_MARK_AX = 0
_OP_AND = 1
_OP_OR = 2
_OP_XOR = 3
_ALU_LO = 4
_ALU_HI = 20
_AX_CARRY_LO = 36
_AX_CARRY_HI = 52
_OUTPUT_LO = 68
_OUTPUT_HI = 84
_DIM = 100

_NW = 32
_ROWS_PER_CHUNK = 256


def _make_sc_kernel(n_b, n_s):
    halves_per_b = _NW // n_b
    rows_per_w = n_s // halves_per_b
    chunks = rows_per_w // _ROWS_PER_CHUNK
    groups = _ROWS_PER_CHUNK // 16
    mesh = plsc.VectorSubcoreMesh(core_axis_name="c", subcore_axis_name="s")

    @functools.partial(
        pl.kernel,
        mesh=mesh,
        out_type=jax.ShapeDtypeStruct((n_b, n_s, _DIM), jnp.float32),
        scratch_types=[
            pltpu.VMEM((4, _ROWS_PER_CHUNK, _DIM), jnp.float32),
            [pltpu.SemaphoreType.DMA] * 4,
            [pltpu.SemaphoreType.DMA] * 4,
            [pltpu.SemaphoreType.DMA] * 4,
        ],
        compiler_params=pltpu.CompilerParams(
            needs_layout_passes=False,
            use_tc_tiling_on_sc=True,
        ),
    )
    def sc_kernel(x_hbm, out_hbm, bufs, sems_in, sems_out, sems_in2):
        wid = lax.axis_index("s") * 2 + lax.axis_index("c")
        w_b = wid // halves_per_b
        w_base = (wid % halves_per_b) * rows_per_w
        lane = lax.iota(jnp.int32, 16)

        half = _ROWS_PER_CHUNK // 2

        def in_dma_a(g, p):
            start = w_base + g * _ROWS_PER_CHUNK
            return pltpu.make_async_copy(
                x_hbm.at[w_b, pl.ds(start, half), :],
                bufs.at[p, pl.ds(0, half), :], sems_in[p])

        def in_dma_b(g, p):
            start = w_base + g * _ROWS_PER_CHUNK + half
            return pltpu.make_async_copy(
                x_hbm.at[w_b, pl.ds(start, half), :],
                bufs.at[p, pl.ds(half, half), :], sems_in2[p])

        def in_start(g, p):
            in_dma_a(g, p).start()
            in_dma_b(g, p).start()

        def in_wait(g, p):
            in_dma_a(g, p).wait()
            in_dma_b(g, p).wait()

        def out_dma(g, p):
            start = w_base + g * _ROWS_PER_CHUNK
            return pltpu.make_async_copy(
                bufs.at[p],
                out_hbm.at[w_b, pl.ds(start, _ROWS_PER_CHUNK), :],
                sems_out[p])

        windows = (_ALU_LO, _ALU_HI, _AX_CARRY_LO, _AX_CARRY_HI)

        def do_group(buf, j):
            rows = j * 16 + lane

            def col(c):
                return plsc.load_gather(
                    buf, [rows, jnp.full((16,), c, jnp.int32)])

            is_mark = col(_MARK_AX) >= 0.5
            is_and = col(_OP_AND) > 0.5
            is_or = col(_OP_OR) > 0.5
            is_xor = col(_OP_XOR) > 0.5
            active = is_mark & (is_and | is_or | is_xor)

            zero = jnp.zeros((16,), jnp.int32)

            def row_step(l, acc):
                r = j * 16 + l
                lm = lane == l
                return tuple(
                    jnp.where(lm, plsc.all_reduce_ffs(
                        buf[r, pl.ds(w, 16)] > 0.5), a)
                    for w, a in zip(windows, acc))

            acc = lax.fori_loop(0, 16, row_step, (zero, zero, zero, zero))
            a_lo = acc[0] & 15
            a_hi = acc[1] & 15
            b_lo = acc[2] & 15
            b_hi = acc[3] & 15

            def op(a, b):
                return jnp.where(is_and, a & b,
                                 jnp.where(is_or, a | b, a ^ b))

            r_lo = op(a_lo, b_lo)
            r_hi = op(a_hi, b_hi)

            add = jnp.full((16,), 2.0, jnp.float32)
            plsc.addupdate_scatter(buf, [rows, _OUTPUT_LO + r_lo],
                                   add, mask=active)
            plsc.addupdate_scatter(buf, [rows, _OUTPUT_HI + r_hi],
                                   add, mask=active)

        def compute(p):
            plsc.parallel_loop(0, groups, 1, unroll=1)(
                lambda j: do_group(bufs.at[p], j))

        quads = chunks // 4
        for j in range(4):
            in_start(j, j)

        def quad(k, _):
            g0 = k * 4

            def stage(j):
                in_wait(g0 + j, j)
                compute(j)
                out_dma(g0 + j, j).start()

            def refill(j):
                @pl.when(k < quads - 1)
                def _():
                    out_dma(g0 + j, j).wait()
                    in_start(g0 + j + 4, j)

            stage(0)
            stage(1)
            refill(0)
            stage(2)
            refill(1)
            stage(3)
            refill(2)
            refill(3)
            return 0

        lax.fori_loop(0, quads, quad, 0)
        for j in range(4):
            out_dma(chunks - 4 + j, j).wait()

    return sc_kernel


def kernel(x_bd):
    b, s, d = x_bd.shape
    return _make_sc_kernel(b, s)(x_bd)

# --- scband reference (transcript-rebuilt; emitter-appended) ---
"""Pipeline reference for scband-efficient8-bit-alu-bitwise-7945689497932 (READ-ONLY COPY).

The authoritative reference and input builder live on the scoring server;
editing this copy changes nothing except your own understanding.
"""

import jax, jax.numpy as jnp
import numpy as np

# BD layout constants (match init_kwargs BD dict)
MARK_AX = 0
OP_AND = 1
OP_OR = 2
OP_XOR = 3
ALU_LO = 4
ALU_HI = 20
AX_CARRY_LO = 36
AX_CARRY_HI = 52
OUTPUT_LO = 68
OUTPUT_HI = 84
DIM = 100
B = 16
S = 8192


def setup_inputs(seed: int = 0) -> dict:
    key = jax.random.key(seed)
    x_bd = jax.random.uniform(key, (B, S, DIM), dtype=jnp.float32)
    return {"x_bd": x_bd}


def _first_set(slab):
    # Emulates the original loop: first k in [0,16) with value > 0.5, else 0.
    mask = slab > 0.5
    has = jnp.any(mask, axis=-1)
    idx = jnp.argmax(mask, axis=-1)
    return jnp.where(has, idx, 0).astype(jnp.int32)


def reference(x_bd):
    # Active positions: MARK_AX set and at least one bitwise opcode flag set.
    is_mark = x_bd[..., MARK_AX] >= 0.5
    is_and = x_bd[..., OP_AND] > 0.5
    is_or = x_bd[..., OP_OR] > 0.5
    is_xor = x_bd[..., OP_XOR] > 0.5
    active = is_mark & (is_and | is_or | is_xor)

    # bd_to_ge: decode 4-bit operand nibbles from one-hot fields (first index > 0.5).
    a_lo = _first_set(x_bd[..., ALU_LO:ALU_LO + 16])
    a_hi = _first_set(x_bd[..., ALU_HI:ALU_HI + 16])
    b_lo = _first_set(x_bd[..., AX_CARRY_LO:AX_CARRY_LO + 16])
    b_hi = _first_set(x_bd[..., AX_CARRY_HI:AX_CARRY_HI + 16])

    # The and/or/xor layer stacks compute the exact nibble-wise bitwise op.
    # Original priority: AND, elif OR, elif XOR.
    def _op(a, b):
        return jnp.where(is_and, jnp.bitwise_and(a, b),
                         jnp.where(is_or, jnp.bitwise_or(a, b),
                                   jnp.bitwise_xor(a, b)))

    r_lo = jnp.clip(_op(a_lo, b_lo), 0, 15)
    r_hi = jnp.clip(_op(a_hi, b_hi), 0, 15)

    # ge_to_bd: scatter-add +2.0 into OUTPUT_LO+r_lo and OUTPUT_HI+r_hi of the
    # cloned buffer, only for active positions.
    n = x_bd.shape[0] * x_bd.shape[1]
    flat = x_bd.reshape(n, DIM)
    rows = jnp.arange(n)
    add = 2.0 * active.reshape(n).astype(x_bd.dtype)
    flat = flat.at[rows, OUTPUT_LO + r_lo.reshape(n)].add(add)
    flat = flat.at[rows, OUTPUT_HI + r_hi.reshape(n)].add(add)
    return flat.reshape(x_bd.shape)

if __name__ == "__main__":
    import jax
    _d = setup_inputs()
    print(jax.jit(kernel)(*tuple(_d.values())))

</pallas_src>

<mosaic_0001>
#map = affine_map<(d0, d1) -> (0, 0, 0)>
module attributes {stable_mosaic.version = 14 : i64} {
  func.func @sc_kernel(%arg0: i32, %arg1: i32, %arg2: memref<16x8192x100xf32, #tpu.memory_space<hbm>>, %arg3: memref<16x8192x100xf32, #tpu.memory_space<hbm>>, %arg4: memref<4x256x100xf32, #tpu.memory_space<vmem>>, %arg5: memref<!tpu.dma_semaphore, #tpu.memory_space<semaphore_mem>>, %arg6: memref<!tpu.dma_semaphore, #tpu.memory_space<semaphore_mem>>, %arg7: memref<!tpu.dma_semaphore, #tpu.memory_space<semaphore_mem>>, %arg8: memref<!tpu.dma_semaphore, #tpu.memory_space<semaphore_mem>>, %arg9: memref<!tpu.dma_semaphore, #tpu.memory_space<semaphore_mem>>, %arg10: memref<!tpu.dma_semaphore, #tpu.memory_space<semaphore_mem>>, %arg11: memref<!tpu.dma_semaphore, #tpu.memory_space<semaphore_mem>>, %arg12: memref<!tpu.dma_semaphore, #tpu.memory_space<semaphore_mem>>, %arg13: memref<!tpu.dma_semaphore, #tpu.memory_space<semaphore_mem>>, %arg14: memref<!tpu.dma_semaphore, #tpu.memory_space<semaphore_mem>>, %arg15: memref<!tpu.dma_semaphore, #tpu.memory_space<semaphore_mem>>, %arg16: memref<!tpu.dma_semaphore, #tpu.memory_space<semaphore_mem>>) attributes {dimension_semantics = [#tpu.dimension_semantics<core_parallel>, #tpu.dimension_semantics<subcore_parallel>], iteration_bounds = array<i64: 2, 16>, scalar_prefetch = 0 : i64, scratch_operands = 13 : i64, tpu.core_type = #tpu.core_type<sc_vector_subcore>, window_params = [{transform_indices = #map}, {transform_indices = #map}]} {
    %mul3A = arith.constant 2 : i32
    %mul3A_0 = arith.muli %arg1, %mul3A : i32
    %add3A = arith.addi %mul3A_0, %arg0 : i32
    %jit3A = arith.constant 2 : i32
    %div3A = arith.divsi %add3A, %jit3A : i32
    %sign3A = arith.constant 0 : i32
    %sign3A_1 = arith.cmpi sgt, %add3A, %sign3A : i32
    %sign3A_2 = arith.extui %sign3A_1 : i1 to i32
    %sign3A_3 = arith.constant 0 : i32
    %sign3A_4 = arith.cmpi slt, %add3A, %sign3A_3 : i32
    %sign3A_5 = arith.extui %sign3A_4 : i1 to i32
    %sign3A_6 = arith.subi %sign3A_2, %sign3A_5 : i32
    %sign3A_7 = arith.constant 0 : i32
    %sign3A_8 = arith.cmpi sgt, %jit3A, %sign3A_7 : i32
    %sign3A_9 = arith.extui %sign3A_8 : i1 to i32
    %sign3A_10 = arith.constant 0 : i32
    %sign3A_11 = arith.cmpi slt, %jit3A, %sign3A_10 : i32
    %sign3A_12 = arith.extui %sign3A_11 : i1 to i32
    %sign3A_13 = arith.subi %sign3A_9, %sign3A_12 : i32
    %ne3A = arith.cmpi ne, %sign3A_6, %sign3A_13 : i32
    %rem3A = arith.remsi %add3A, %jit3A : i32
    %ne3A_14 = arith.constant 0 : i32
    %ne3A_15 = arith.cmpi ne, %rem3A, %ne3A_14 : i32
    %and3A = arith.andi %ne3A, %ne3A_15 : i1
    %sub3A = arith.constant 1 : i32
    %sub3A_16 = arith.subi %div3A, %sub3A : i32
    %select_n3A = arith.select %and3A, %sub3A_16, %div3A : i32
    %jit3A_17 = arith.constant 2 : i32
    %eq3A = arith.constant 0 : i32
    %eq3A_18 = arith.cmpi eq, %jit3A_17, %eq3A : i32
    %jit3A_19 = arith.constant 1 : i32
    %select_n3A_20 = arith.select %eq3A_18, %jit3A_19, %jit3A_17 : i32
    %rem3A_21 = arith.remsi %add3A, %select_n3A_20 : i32
    %ne3A_22 = arith.constant 0 : i32
    %ne3A_23 = arith.cmpi ne, %rem3A_21, %ne3A_22 : i32
    %lt3A = arith.constant 0 : i32
    %lt3A_24 = arith.cmpi slt, %rem3A_21, %lt3A : i32
    %lt3A_25 = arith.constant 0 : i32
    %lt3A_26 = arith.cmpi slt, %select_n3A_20, %lt3A_25 : i32
    %ne3A_27 = arith.xori %lt3A_24, %lt3A_26 : i1
    %and3A_28 = arith.andi %ne3A_27, %ne3A_23 : i1
    %add3A_29 = arith.addi %rem3A_21, %select_n3A_20 : i32
    %select_n3A_30 = arith.select %and3A_28, %add3A_29, %rem3A_21 : i32
    %mul3A_31 = arith.constant 4096 : i32
    %mul3A_32 = arith.muli %select_n3A_30, %mul3A_31 : i32
    %iota3A = tpu.iota {dimensions = array<i32: 0>} : vector<16xi32>
    %add3A_33 = arith.constant 0 : i32
    %add3A_34 = arith.addi %mul3A_32, %add3A_33 : i32
    %dma_start3A = arith.constant 0 : i32
    %dma_start3A_35 = arith.constant 0 : i32
    %dma_start3A_36 = arith.constant 0 : i32
    %dma_start3A_37 = tpu.memref_slice %arg4[%dma_start3A, %dma_start3A_35, %dma_start3A_36] : memref<4x256x100xf32, #tpu.memory_space<vmem>> -> memref<1x128x100xf32, #tpu.memory_space<vmem>>
    %dma_start3A_38 = tpu.memref_squeeze %dma_start3A_37 : memref<1x128x100xf32, #tpu.memory_space<vmem>> -> memref<128x100xf32, #tpu.memory_space<vmem>>
    %dma_start3A_39 = arith.constant 0 : i32
    %dma_start3A_40 = tpu.memref_slice %arg2[%select_n3A, %add3A_34, %dma_start3A_39] : memref<16x8192x100xf32, #tpu.memory_space<hbm>> -> memref<1x128x100xf32, #tpu.memory_space<hbm>>
    %dma_start3A_41 = tpu.memref_squeeze %dma_start3A_40 : memref<1x128x100xf32, #tpu.memory_space<hbm>> -> memref<128x100xf32, #tpu.memory_space<hbm>>
    %dma_start3A_42 = arith.constant 0 : i32
    %dma_start3A_43 = arith.constant 0 : i32
    %dma_start3A_44 = tpu.memref_slice %arg4[%dma_start3A, %dma_start3A_42, %dma_start3A_43] : memref<4x256x100xf32, #tpu.memory_space<vmem>> -> memref<1x128x100xf32, #tpu.memory_space<vmem>>
    %dma_start3A_45 = tpu.memref_squeeze %dma_start3A_44 : memref<1x128x100xf32, #tpu.memory_space<vmem>> -> memref<128x100xf32, #tpu.memory_space<vmem>>
    %dma_start3A_46 = arith.constant 0 : i32
    %dma_start3A_47 = tpu.memref_slice %arg2[%select_n3A, %add3A_34, %dma_start3A_46] : memref<16x8192x100xf32, #tpu.memory_space<hbm>> -> memref<1x128x100xf32, #tpu.memory_space<hbm>>
    %dma_start3A_48 = tpu.memref_squeeze %dma_start3A_47 : memref<1x128x100xf32, #tpu.memory_space<hbm>> -> memref<128x100xf32, #tpu.memory_space<hbm>>
    tpu.enqueue_dma source(%dma_start3A_48 : memref<128x100xf32, #tpu.memory_space<hbm>>) target(%dma_start3A_45 : memref<128x100xf32, #tpu.memory_space<vmem>>) target_semaphore(%arg5 : memref<!tpu.dma_semaphore, #tpu.memory_space<semaphore_mem>>)
    %add3A_49 = arith.constant 0 : i32
    %add3A_50 = arith.addi %mul3A_32, %add3A_49 : i32
    %add3A_51 = arith.constant 128 : i32
    %add3A_52 = arith.addi %add3A_50, %add3A_51 : i32
    %dma_start3A_53 = arith.constant 0 : i32
    %dma_start3A_54 = arith.constant 128 : i32
    %dma_start3A_55 = arith.constant 0 : i32
    %dma_start3A_56 = tpu.memref_slice %arg4[%dma_start3A_53, %dma_start3A_54, %dma_start3A_55] : memref<4x256x100xf32, #tpu.memory_space<vmem>> -> memref<1x128x100xf32, #tpu.memory_space<vmem>>
    %dma_start3A_57 = tpu.memref_squeeze %dma_start3A_56 : memref<1x128x100xf32, #tpu.memory_space<vmem>> -> memref<128x100xf32, #tpu.memory_space<vmem>>
    %dma_start3A_58 = arith.constant 0 : i32
    %dma_start3A_59 = tpu.memref_slice %arg2[%select_n3A, %add3A_52, %dma_start3A_58] : memref<16x8192x100xf32, #tpu.memory_space<hbm>> -> memref<1x128x100xf32, #tpu.memory_space<hbm>>
    %dma_start3A_60 = tpu.memref_squeeze %dma_start3A_59 : memref<1x128x100xf32, #tpu.memory_space<hbm>> -> memref<128x100xf32, #tpu.memory_space<hbm>>
    %dma_start3A_61 = arith.constant 128 : i32
    %dma_start3A_62 = arith.constant 0 : i32
    %dma_start3A_63 = tpu.memref_slice %arg4[%dma_start3A_53, %dma_start3A_61, %dma_start3A_62] : memref<4x256x100xf32, #tpu.memory_space<vmem>> -> memref<1x128x100xf32, #tpu.memory_space<vmem>>
    %dma_start3A_64 = tpu.memref_squeeze %dma_start3A_63 : memref<1x128x100xf32, #tpu.memory_space<vmem>> -> memref<128x100xf32, #tpu.memory_space<vmem>>
    %dma_start3A_65 = arith.constant 0 : i32
    %dma_start3A_66 = tpu.memref_slice %arg2[%select_n3A, %add3A_52, %dma_start3A_65] : memref<16x8192x100xf32, #tpu.memory_space<hbm>> -> memref<1x128x100xf32, #tpu.memory_space<hbm>>
    %dma_start3A_67 = tpu.memref_squeeze %dma_start3A_66 : memref<1x128x100xf32, #tpu.memory_space<hbm>> -> memref<128x100xf32, #tpu.memory_space<hbm>>
    tpu.enqueue_dma source(%dma_start3A_67 : memref<128x100xf32, #tpu.memory_space<hbm>>) target(%dma_start3A_64 : memref<128x100xf32, #tpu.memory_space<vmem>>) target_semaphore(%arg13 : memref<!tpu.dma_semaphore, #tpu.memory_space<semaphore_mem>>)
    %add3A_68 = arith.constant 256 : i32
    %add3A_69 = arith.addi %mul3A_32, %add3A_68 : i32
    %dma_start3A_70 = arith.constant 1 : i32
    %dma_start3A_71 = arith.constant 0 : i32
    %dma_start3A_72 = arith.constant 0 : i32
    %dma_start3A_73 = tpu.memref_slice %arg4[%dma_start3A_70, %dma_start3A_71, %dma_start3A_72] : memref<4x256x100xf32, #tpu.memory_space<vmem>> -> memref<1x128x100xf32, #tpu.memory_space<vmem>>
    %dma_start3A_74 = tpu.memref_squeeze %dma_start3A_73 : memref<1x128x100xf32, #tpu.memory_space<vmem>> -> memref<128x100xf32, #tpu.memory_space<vmem>>
    %dma_start3A_75 = arith.constant 0 : i32
    %dma_start3A_76 = tpu.memref_slice %arg2[%select_n3A, %add3A_69, %dma_start3A_75] : memref<16x8192x100xf32, #tpu.memory_space<hbm>> -> memref<1x128x100xf32, #tpu.memory_space<hbm>>
    %dma_start3A_77 = tpu.memref_squeeze %dma_start3A_76 : memref<1x128x100xf32, #tpu.memory_space<hbm>> -> memref<128x100xf32, #tpu.memory_space<hbm>>
    %dma_start3A_78 = arith.constant 0 : i32
    %dma_start3A_79 = arith.constant 0 : i32
    %dma_start3A_80 = tpu.memref_slice %arg4[%dma_start3A_70, %dma_start3A_78, %dma_start3A_79] : memref<4x256x100xf32, #tpu.memory_space<vmem>> -> memref<1x128x100xf32, #tpu.memory_space<vmem>>
    %dma_start3A_81 = tpu.memref_squeeze %dma_start3A_80 : memref<1x128x100xf32, #tpu.memory_space<vmem>> -> memref<128x100xf32, #tpu.memory_space<vmem>>
    %dma_start3A_82 = arith.constant 0 : i32
    %dma_start3A_83 = tpu.memref_slice %arg2[%select_n3A, %add3A_69, %dma_start3A_82] : memref<16x8192x100xf32, #tpu.memory_space<hbm>> -> memref<1x128x100xf32, #tpu.memory_space<hbm>>
    %dma_start3A_84 = tpu.memref_squeeze %dma_start3A_83 : memref<1x128x100xf32, #tpu.memory_space<hbm>> -> memref<128x100xf32, #tpu.memory_space<hbm>>
    tpu.enqueue_dma source(%dma_start3A_84 : memref<128x100xf32, #tpu.memory_space<hbm>>) target(%dma_start3A_81 : memref<128x100xf32, #tpu.memory_space<vmem>>) target_semaphore(%arg6 : memref<!tpu.dma_semaphore, #tpu.memory_space<semaphore_mem>>)
    %add3A_85 = arith.constant 256 : i32
    %add3A_86 = arith.addi %mul3A_32, %add3A_85 : i32
    %add3A_87 = arith.constant 128 : i32
    %add3A_88 = arith.addi %add3A_86, %add3A_87 : i32
    %dma_start3A_89 = arith.constant 1 : i32
    %dma_start3A_90 = arith.constant 128 : i32
    %dma_start3A_91 = arith.constant 0 : i32
    %dma_start3A_92 = tpu.memref_slice %arg4[%dma_start3A_89, %dma_start3A_90, %dma_start3A_91] : memref<4x256x100xf32, #tpu.memory_space<vmem>> -> memref<1x128x100xf32, #tpu.memory_space<vmem>>
    %dma_start3A_93 = tpu.memref_squeeze %dma_start3A_92 : memref<1x128x100xf32, #tpu.memory_space<vmem>> -> memref<128x100xf32, #tpu.memory_space<vmem>>
    %dma_start3A_94 = arith.constant 0 : i32
    %dma_start3A_95 = tpu.memref_slice %arg2[%select_n3A, %add3A_88, %dma_start3A_94] : memref<16x8192x100xf32, #tpu.memory_space<hbm>> -> memref<1x128x100xf32, #tpu.memory_space<hbm>>
    %dma_start3A_96 = tpu.memref_squeeze %dma_start3A_95 : memref<1x128x100xf32, #tpu.memory_space<hbm>> -> memref<128x100xf32, #tpu.memory_space<hbm>>
    %dma_start3A_97 = arith.constant 128 : i32
    %dma_start3A_98 = arith.constant 0 : i32
    %dma_start3A_99 = tpu.memref_slice %arg4[%dma_start3A_89, %dma_start3A_97, %dma_start3A_98] : memref<4x256x100xf32, #tpu.memory_space<vmem>> -> memref<1x128x100xf32, #tpu.memory_space<vmem>>
    %dma_start3A_100 = tpu.memref_squeeze %dma_start3A_99 : memref<1x128x100xf32, #tpu.memory_space<vmem>> -> memref<128x100xf32, #tpu.memory_space<vmem>>
    %dma_start3A_101 = arith.constant 0 : i32
    %dma_start3A_102 = tpu.memref_slice %arg2[%select_n3A, %add3A_88, %dma_start3A_101] : memref<16x8192x100xf32, #tpu.memory_space<hbm>> -> memref<1x128x100xf32, #tpu.memory_space<hbm>>
    %dma_start3A_103 = tpu.memref_squeeze %dma_start3A_102 : memref<1x128x100xf32, #tpu.memory_space<hbm>> -> memref<128x100xf32, #tpu.memory_space<hbm>>
    tpu.enqueue_dma source(%dma_start3A_103 : memref<128x100xf32, #tpu.memory_space<hbm>>) target(%dma_start3A_100 : memref<128x100xf32, #tpu.memory_space<vmem>>) target_semaphore(%arg14 : memref<!tpu.dma_semaphore, #tpu.memory_space<semaphore_mem>>)
    %add3A_104 = arith.constant 512 : i32
    %add3A_105 = arith.addi %mul3A_32, %add3A_104 : i32
    %dma_start3A_106 = arith.constant 2 : i32
    %dma_start3A_107 = arith.constant 0 : i32
    %dma_start3A_108 = arith.constant 0 : i32
    %dma_start3A_109 = tpu.memref_slice %arg4[%dma_start3A_106, %dma_start3A_107, %dma_start3A_108] : memref<4x256x100xf32, #tpu.memory_space<vmem>> -> memref<1x128x100xf32, #tpu.memory_space<vmem>>
    %dma_start3A_110 = tpu.memref_squeeze %dma_start3A_109 : memref<1x128x100xf32, #tpu.memory_space<vmem>> -> memref<128x100xf32, #tpu.memory_space<vmem>>
    %dma_start3A_111 = arith.constant 0 : i32
    %dma_start3A_112 = tpu.memref_slice %arg2[%select_n3A, %add3A_105, %dma_start3A_111] : memref<16x8192x100xf32, #tpu.memory_space<hbm>> -> memref<1x128x100xf32, #tpu.memory_space<hbm>>
    %dma_start3A_113 = tpu.memref_squeeze %dma_start3A_112 : memref<1x128x100xf32, #tpu.memory_space<hbm>> -> memref<128x100xf32, #tpu.memory_space<hbm>>
    %dma_start3A_114 = arith.constant 0 : i32
    %dma_start3A_115 = arith.constant 0 : i32
    %dma_start3A_116 = tpu.memref_slice %arg4[%dma_start3A_106, %dma_start3A_114, %dma_start3A_115] : memref<4x256x100xf32, #tpu.memory_space<vmem>> -> memref<1x128x100xf32, #tpu.memory_space<vmem>>
    %dma_start3A_117 = tpu.memref_squeeze %dma_start3A_116 : memref<1x128x100xf32, #tpu.memory_space<vmem>> -> memref<128x100xf32, #tpu.memory_space<vmem>>
    %dma_start3A_118 = arith.constant 0 : i32
    %dma_start3A_119 = tpu.memref_slice %arg2[%select_n3A, %add3A_105, %dma_start3A_118] : memref<16x8192x100xf32, #tpu.memory_space<hbm>> -> memref<1x128x100xf32, #tpu.memory_space<hbm>>
    %dma_start3A_120 = tpu.memref_squeeze %dma_start3A_119 : memref<1x128x100xf32, #tpu.memory_space<hbm>> -> memref<128x100xf32, #tpu.memory_space<hbm>>
    tpu.enqueue_dma source(%dma_start3A_120 : memref<128x100xf32, #tpu.memory_space<hbm>>) target(%dma_start3A_117 : memref<128x100xf32, #tpu.memory_space<vmem>>) target_semaphore(%arg7 : memref<!tpu.dma_semaphore, #tpu.memory_space<semaphore_mem>>)
    %add3A_121 = arith.constant 512 : i32
    %add3A_122 = arith.addi %mul3A_32, %add3A_121 : i32
    %add3A_123 = arith.constant 128 : i32
    %add3A_124 = arith.addi %add3A_122, %add3A_123 : i32
    %dma_start3A_125 = arith.constant 2 : i32
    %dma_start3A_126 = arith.constant 128 : i32
    %dma_start3A_127 = arith.constant 0 : i32
    %dma_start3A_128 = tpu.memref_slice %arg4[%dma_start3A_125, %dma_start3A_126, %dma_start3A_127] : memref<4x256x100xf32, #tpu.memory_space<vmem>> -> memref<1x128x100xf32, #tpu.memory_space<vmem>>
    %dma_start3A_129 = tpu.memref_squeeze %dma_start3A_128 : memref<1x128x100xf32, #tpu.memory_space<vmem>> -> memref<128x100xf32, #tpu.memory_space<vmem>>
    %dma_start3A_130 = arith.constant 0 : i32
    %dma_start3A_131 = tpu.memref_slice %arg2[%select_n3A, %add3A_124, %dma_start3A_130] : memref<16x8192x100xf32, #tpu.memory_space<hbm>> -> memref<1x128x100xf32, #tpu.memory_space<hbm>>
    %dma_start3A_132 = tpu.memref_squeeze %dma_start3A_131 : memref<1x128x100xf32, #tpu.memory_space<hbm>> -> memref<128x100xf32, #tpu.memory_space<hbm>>
    %dma_start3A_133 = arith.constant 128 : i32
    %dma_start3A_134 = arith.constant 0 : i32
    %dma_start3A_135 = tpu.memref_slice %arg4[%dma_start3A_125, %dma_start3A_133, %dma_start3A_134] : memref<4x256x100xf32, #tpu.memory_space<vmem>> -> memref<1x128x100xf32, #tpu.memory_space<vmem>>
    %dma_start3A_136 = tpu.memref_squeeze %dma_start3A_135 : memref<1x128x100xf32, #tpu.memory_space<vmem>> -> memref<128x100xf32, #tpu.memory_space<vmem>>
    %dma_start3A_137 = arith.constant 0 : i32
    %dma_start3A_138 = tpu.memref_slice %arg2[%select_n3A, %add3A_124, %dma_start3A_137] : memref<16x8192x100xf32, #tpu.memory_space<hbm>> -> memref<1x128x100xf32, #tpu.memory_space<hbm>>
    %dma_start3A_139 = tpu.memref_squeeze %dma_start3A_138 : memref<1x128x100xf32, #tpu.memory_space<hbm>> -> memref<128x100xf32, #tpu.memory_space<hbm>>
    tpu.enqueue_dma source(%dma_start3A_139 : memref<128x100xf32, #tpu.memory_space<hbm>>) target(%dma_start3A_136 : memref<128x100xf32, #tpu.memory_space<vmem>>) target_semaphore(%arg15 : memref<!tpu.dma_semaphore, #tpu.memory_space<semaphore_mem>>)
    %add3A_140 = arith.constant 768 : i32
    %add3A_141 = arith.addi %mul3A_32, %add3A_140 : i32
    %dma_start3A_142 = arith.constant 3 : i32
    %dma_start3A_143 = arith.constant 0 : i32
    %dma_start3A_144 = arith.constant 0 : i32
    %dma_start3A_145 = tpu.memref_slice %arg4[%dma_start3A_142, %dma_start3A_143, %dma_start3A_144] : memref<4x256x100xf32, #tpu.memory_space<vmem>> -> memref<1x128x100xf32, #tpu.memory_space<vmem>>
    %dma_start3A_146 = tpu.memref_squeeze %dma_start3A_145 : memref<1x128x100xf32, #tpu.memory_space<vmem>> -> memref<128x100xf32, #tpu.memory_space<vmem>>
    %dma_start3A_147 = arith.constant 0 : i32
    %dma_start3A_148 = tpu.memref_slice %arg2[%select_n3A, %add3A_141, %dma_start3A_147] : memref<16x8192x100xf32, #tpu.memory_space<hbm>> -> memref<1x128x100xf32, #tpu.memory_space<hbm>>
    %dma_start3A_149 = tpu.memref_squeeze %dma_start3A_148 : memref<1x128x100xf32, #tpu.memory_space<hbm>> -> memref<128x100xf32, #tpu.memory_space<hbm>>
    %dma_start3A_150 = arith.constant 0 : i32
    %dma_start3A_151 = arith.constant 0 : i32
    %dma_start3A_152 = tpu.memref_slice %arg4[%dma_start3A_142, %dma_start3A_150, %dma_start3A_151] : memref<4x256x100xf32, #tpu.memory_space<vmem>> -> memref<1x128x100xf32, #tpu.memory_space<vmem>>
    %dma_start3A_153 = tpu.memref_squeeze %dma_start3A_152 : memref<1x128x100xf32, #tpu.memory_space<vmem>> -> memref<128x100xf32, #tpu.memory_space<vmem>>
    %dma_start3A_154 = arith.constant 0 : i32
    %dma_start3A_155 = tpu.memref_slice %arg2[%select_n3A, %add3A_141, %dma_start3A_154] : memref<16x8192x100xf32, #tpu.memory_space<hbm>> -> memref<1x128x100xf32, #tpu.memory_space<hbm>>
    %dma_start3A_156 = tpu.memref_squeeze %dma_start3A_155 : memref<1x128x100xf32, #tpu.memory_space<hbm>> -> memref<128x100xf32, #tpu.memory_space<hbm>>
    tpu.enqueue_dma source(%dma_start3A_156 : memref<128x100xf32, #tpu.memory_space<hbm>>) target(%dma_start3A_153 : memref<128x100xf32, #tpu.memory_space<vmem>>) target_semaphore(%arg8 : memref<!tpu.dma_semaphore, #tpu.memory_space<semaphore_mem>>)
    %add3A_157 = arith.constant 768 : i32
    %add3A_158 = arith.addi %mul3A_32, %add3A_157 : i32
    %add3A_159 = arith.constant 128 : i32
    %add3A_160 = arith.addi %add3A_158, %add3A_159 : i32
    %dma_start3A_161 = arith.constant 3 : i32
    %dma_start3A_162 = arith.constant 128 : i32
    %dma_start3A_163 = arith.constant 0 : i32
    %dma_start3A_164 = tpu.memref_slice %arg4[%dma_start3A_161, %dma_start3A_162, %dma_start3A_163] : memref<4x256x100xf32, #tpu.memory_space<vmem>> -> memref<1x128x100xf32, #tpu.memory_space<vmem>>
    %dma_start3A_165 = tpu.memref_squeeze %dma_start3A_164 : memref<1x128x100xf32, #tpu.memory_space<vmem>> -> memref<128x100xf32, #tpu.memory_space<vmem>>
    %dma_start3A_166 = arith.constant 0 : i32
    %dma_start3A_167 = tpu.memref_slice %arg2[%select_n3A, %add3A_160, %dma_start3A_166] : memref<16x8192x100xf32, #tpu.memory_space<hbm>> -> memref<1x128x100xf32, #tpu.memory_space<hbm>>
    %dma_start3A_168 = tpu.memref_squeeze %dma_start3A_167 : memref<1x128x100xf32, #tpu.memory_space<hbm>> -> memref<128x100xf32, #tpu.memory_space<hbm>>
    %dma_start3A_169 = arith.constant 128 : i32
    %dma_start3A_170 = arith.constant 0 : i32
    %dma_start3A_171 = tpu.memref_slice %arg4[%dma_start3A_161, %dma_start3A_169, %dma_start3A_170] : memref<4x256x100xf32, #tpu.memory_space<vmem>> -> memref<1x128x100xf32, #tpu.memory_space<vmem>>
    %dma_start3A_172 = tpu.memref_squeeze %dma_start3A_171 : memref<1x128x100xf32, #tpu.memory_space<vmem>> -> memref<128x100xf32, #tpu.memory_space<vmem>>
    %dma_start3A_173 = arith.constant 0 : i32
    %dma_start3A_174 = tpu.memref_slice %arg2[%select_n3A, %add3A_160, %dma_start3A_173] : memref<16x8192x100xf32, #tpu.memory_space<hbm>> -> memref<1x128x100xf32, #tpu.memory_space<hbm>>
    %dma_start3A_175 = tpu.memref_squeeze %dma_start3A_174 : memref<1x128x100xf32, #tpu.memory_space<hbm>> -> memref<128x100xf32, #tpu.memory_space<hbm>>
    tpu.enqueue_dma source(%dma_start3A_175 : memref<128x100xf32, #tpu.memory_space<hbm>>) target(%dma_start3A_172 : memref<128x100xf32, #tpu.memory_space<vmem>>) target_semaphore(%arg16 : memref<!tpu.dma_semaphore, #tpu.memory_space<semaphore_mem>>)
    %scan3A = arith.constant 0 : i32
    %scan3A_176 = arith.constant 0 : i32
    %scan3A_177 = arith.constant 4 : i32
    %scan3A_178 = arith.addi %scan3A_176, %scan3A_177 : i32
    %scan3A_179 = arith.constant 1 : i32
    %scan3A_180 = scf.for %scan3A_249 = %scan3A_176 to %scan3A_178 step %scan3A_179 iter_args(%scan3A_250 = %scan3A) -> (i32)  : i32 {
      %mul3A_251 = arith.constant 4 : i32
      %mul3A_252 = arith.muli %scan3A_249, %mul3A_251 : i32
      %add3A_253 = arith.constant 0 : i32
      %add3A_254 = arith.addi %mul3A_252, %add3A_253 : i32
      %mul3A_255 = arith.constant 256 : i32
      %mul3A_256 = arith.muli %add3A_254, %mul3A_255 : i32
      %add3A_257 = arith.addi %mul3A_32, %mul3A_256 : i32
      %dma_wait3A_258 = arith.constant 0 : i32
      %dma_wait3A_259 = arith.constant 0 : i32
      %dma_wait3A_260 = arith.constant 0 : i32
      %dma_wait3A_261 = tpu.memref_slice %arg4[%dma_wait3A_258, %dma_wait3A_259, %dma_wait3A_260] : memref<4x256x100xf32, #tpu.memory_space<vmem>> -> memref<1x128x100xf32, #tpu.memory_space<vmem>>
      %dma_wait3A_262 = tpu.memref_squeeze %dma_wait3A_261 : memref<1x128x100xf32, #tpu.memory_space<vmem>> -> memref<128x100xf32, #tpu.memory_space<vmem>>
      %dma_wait3A_263 = arith.constant 0 : i32
      %dma_wait3A_264 = tpu.memref_slice %arg2[%select_n3A, %add3A_257, %dma_wait3A_263] : memref<16x8192x100xf32, #tpu.memory_space<hbm>> -> memref<1x128x100xf32, #tpu.memory_space<hbm>>
      %dma_wait3A_265 = tpu.memref_squeeze %dma_wait3A_264 : memref<1x128x100xf32, #tpu.memory_space<hbm>> -> memref<128x100xf32, #tpu.memory_space<hbm>>
      %dma_wait3A_266 = arith.constant 0 : i32
      %dma_wait3A_267 = arith.constant 0 : i32
      %dma_wait3A_268 = tpu.memref_slice %arg4[%dma_wait3A_258, %dma_wait3A_266, %dma_wait3A_267] : memref<4x256x100xf32, #tpu.memory_space<vmem>> -> memref<1x128x100xf32, #tpu.memory_space<vmem>>
      %dma_wait3A_269 = tpu.memref_squeeze %dma_wait3A_268 : memref<1x128x100xf32, #tpu.memory_space<vmem>> -> memref<128x100xf32, #tpu.memory_space<vmem>>
      %dma_wait3A_270 = arith.constant 0 : i32
      %dma_wait3A_271 = tpu.memref_slice %arg2[%select_n3A, %add3A_257, %dma_wait3A_270] : memref<16x8192x100xf32, #tpu.memory_space<hbm>> -> memref<1x128x100xf32, #tpu.memory_space<hbm>>
      %dma_wait3A_272 = tpu.memref_squeeze %dma_wait3A_271 : memref<1x128x100xf32, #tpu.memory_space<hbm>> -> memref<128x100xf32, #tpu.memory_space<hbm>>
      tpu.wait_dma2 semaphore(%arg5 : memref<!tpu.dma_semaphore, #tpu.memory_space<semaphore_mem>>) src(%dma_wait3A_272 : memref<128x100xf32, #tpu.memory_space<hbm>>) dst(%dma_wait3A_269 : memref<128x100xf32, #tpu.memory_space<vmem>>)
      %mul3A_273 = arith.constant 256 : i32
      %mul3A_274 = arith.muli %add3A_254, %mul3A_273 : i32
      %add3A_275 = arith.addi %mul3A_32, %mul3A_274 : i32
      %add3A_276 = arith.constant 128 : i32
      %add3A_277 = arith.addi %add3A_275, %add3A_276 : i32
      %dma_wait3A_278 = arith.constant 0 : i32
      %dma_wait3A_279 = arith.constant 128 : i32
      %dma_wait3A_280 = arith.constant 0 : i32
      %dma_wait3A_281 = tpu.memref_slice %arg4[%dma_wait3A_278, %dma_wait3A_279, %dma_wait3A_280] : memref<4x256x100xf32, #tpu.memory_space<vmem>> -> memref<1x128x100xf32, #tpu.memory_space<vmem>>
      %dma_wait3A_282 = tpu.memref_squeeze %dma_wait3A_281 : memref<1x128x100xf32, #tpu.memory_space<vmem>> -> memref<128x100xf32, #tpu.memory_space<vmem>>
      %dma_wait3A_283 = arith.constant 0 : i32
      %dma_wait3A_284 = tpu.memref_slice %arg2[%select_n3A, %add3A_277, %dma_wait3A_283] : memref<16x8192x100xf32, #tpu.memory_space<hbm>> -> memref<1x128x100xf32, #tpu.memory_space<hbm>>
      %dma_wait3A_285 = tpu.memref_squeeze %dma_wait3A_284 : memref<1x128x100xf32, #tpu.memory_space<hbm>> -> memref<128x100xf32, #tpu.memory_space<hbm>>
      %dma_wait3A_286 = arith.constant 128 : i32
      %dma_wait3A_287 = arith.constant 0 : i32
      %dma_wait3A_288 = tpu.memref_slice %arg4[%dma_wait3A_278, %dma_wait3A_286, %dma_wait3A_287] : memref<4x256x100xf32, #tpu.memory_space<vmem>> -> memref<1x128x100xf32, #tpu.memory_space<vmem>>
      %dma_wait3A_289 = tpu.memref_squeeze %dma_wait3A_288 : memref<1x128x100xf32, #tpu.memory_space<vmem>> -> memref<128x100xf32, #tpu.memory_space<vmem>>
      %dma_wait3A_290 = arith.constant 0 : i32
      %dma_wait3A_291 = tpu.memref_slice %arg2[%select_n3A, %add3A_277, %dma_wait3A_290] : memref<16x8192x100xf32, #tpu.memory_space<hbm>> -> memref<1x128x100xf32, #tpu.memory_space<hbm>>
      %dma_wait3A_292 = tpu.memref_squeeze %dma_wait3A_291 : memref<1x128x100xf32, #tpu.memory_space<hbm>> -> memref<128x100xf32, #tpu.memory_space<hbm>>
      tpu.wait_dma2 semaphore(%arg13 : memref<!tpu.dma_semaphore, #tpu.memory_space<semaphore_mem>>) src(%dma_wait3A_292 : memref<128x100xf32, #tpu.memory_space<hbm>>) dst(%dma_wait3A_289 : memref<128x100xf32, #tpu.memory_space<vmem>>)
      %parallel_loop3A = arith.constant 0 : i32
      %parallel_loop3A_293 = arith.constant 16 : i32
      %parallel_loop3A_294 = arith.constant 1 : i32
      scf.for %parallel_loop3A_523 = %parallel_loop3A to %parallel_loop3A_293 step %parallel_loop3A_294  : i32 {
        %parallel_loop3A_524 = arith.constant 16 : i32
        %parallel_loop3A_525 = arith.muli %parallel_loop3A_523, %parallel_loop3A_524 : i32
        %parallel_loop3A_526 = vector.broadcast %parallel_loop3A_525 : i32 to vector<16xi32>
        %parallel_loop3A_527 = arith.addi %parallel_loop3A_526, %iota3A : vector<16xi32>
        %parallel_loop3A_528 = arith.constant 0 : i32
        %parallel_loop3A_529 = vector.broadcast %parallel_loop3A_528 : i32 to vector<16xi32>
        %parallel_loop3A_530 = arith.constant 0 : i32
        %parallel_loop3A_531 = arith.constant 0 : i32
        %parallel_loop3A_532 = arith.constant 0 : i32
        %parallel_loop3A_533 = tpu.memref_slice %arg4[%parallel_loop3A_530, %parallel_loop3A_531, %parallel_loop3A_532] : memref<4x256x100xf32, #tpu.memory_space<vmem>> -> memref<1x256x100xf32, #tpu.memory_space<vmem>>
        %parallel_loop3A_534 = tpu.memref_squeeze %parallel_loop3A_533 : memref<1x256x100xf32, #tpu.memory_space<vmem>> -> memref<256x100xf32, #tpu.memory_space<vmem>>
        %parallel_loop3A_535 = tpu.vector_load_idx %parallel_loop3A_534[%parallel_loop3A_527, %parallel_loop3A_529] : memref<256x100xf32, #tpu.memory_space<vmem>>[vector<16xi32>, vector<16xi32>], vector<16xf32>,
        %parallel_loop3A_536 = arith.constant 5.000000e-01 : f32
        %parallel_loop3A_537 = vector.broadcast %parallel_loop3A_536 : f32 to vector<16xf32>
        %parallel_loop3A_538 = arith.cmpf oge, %parallel_loop3A_535, %parallel_loop3A_537 : vector<16xf32>
        %parallel_loop3A_539 = arith.constant 1 : i32
        %parallel_loop3A_540 = vector.broadcast %parallel_loop3A_539 : i32 to vector<16xi32>
        %parallel_loop3A_541 = arith.constant 0 : i32
        %parallel_loop3A_542 = arith.constant 0 : i32
        %parallel_loop3A_543 = arith.constant 0 : i32
        %parallel_loop3A_544 = tpu.memref_slice %arg4[%parallel_loop3A_541, %parallel_loop3A_542, %parallel_loop3A_543] : memref<4x256x100xf32, #tpu.memory_space<vmem>> -> memref<1x256x100xf32, #tpu.memory_space<vmem>>
        %parallel_loop3A_545 = tpu.memref_squeeze %parallel_loop3A_544 : memref<1x256x100xf32, #tpu.memory_space<vmem>> -> memref<256x100xf32, #tpu.memory_space<vmem>>
        %parallel_loop3A_546 = tpu.vector_load_idx %parallel_loop3A_545[%parallel_loop3A_527, %parallel_loop3A_540] : memref<256x100xf32, #tpu.memory_space<vmem>>[vector<16xi32>, vector<16xi32>], vector<16xf32>,
        %parallel_loop3A_547 = arith.constant 5.000000e-01 : f32
        %parallel_loop3A_548 = vector.broadcast %parallel_loop3A_547 : f32 to vector<16xf32>
        %parallel_loop3A_549 = arith.cmpf ogt, %parallel_loop3A_546, %parallel_loop3A_548 : vector<16xf32>
        %parallel_loop3A_550 = arith.constant 2 : i32
        %parallel_loop3A_551 = vector.broadcast %parallel_loop3A_550 : i32 to vector<16xi32>
        %parallel_loop3A_552 = arith.constant 0 : i32
        %parallel_loop3A_553 = arith.constant 0 : i32
        %parallel_loop3A_554 = arith.constant 0 : i32
        %parallel_loop3A_555 = tpu.memref_slice %arg4[%parallel_loop3A_552, %parallel_loop3A_553, %parallel_loop3A_554] : memref<4x256x100xf32, #tpu.memory_space<vmem>> -> memref<1x256x100xf32, #tpu.memory_space<vmem>>
        %parallel_loop3A_556 = tpu.memref_squeeze %parallel_loop3A_555 : memref<1x256x100xf32, #tpu.memory_space<vmem>> -> memref<256x100xf32, #tpu.memory_space<vmem>>
        %parallel_loop3A_557 = tpu.vector_load_idx %parallel_loop3A_556[%parallel_loop3A_527, %parallel_loop3A_551] : memref<256x100xf32, #tpu.memory_space<vmem>>[vector<16xi32>, vector<16xi32>], vector<16xf32>,
        %parallel_loop3A_558 = arith.constant 5.000000e-01 : f32
        %parallel_loop3A_559 = vector.broadcast %parallel_loop3A_558 : f32 to vector<16xf32>
        %parallel_loop3A_560 = arith.cmpf ogt, %parallel_loop3A_557, %parallel_loop3A_559 : vector<16xf32>
        %parallel_loop3A_561 = arith.constant 3 : i32
        %parallel_loop3A_562 = vector.broadcast %parallel_loop3A_561 : i32 to vector<16xi32>
        %parallel_loop3A_563 = arith.constant 0 : i32
        %parallel_loop3A_564 = arith.constant 0 : i32
        %parallel_loop3A_565 = arith.constant 0 : i32
        %parallel_loop3A_566 = tpu.memref_slice %arg4[%parallel_loop3A_563, %parallel_loop3A_564, %parallel_loop3A_565] : memref<4x256x100xf32, #tpu.memory_space<vmem>> -> memref<1x256x100xf32, #tpu.memory_space<vmem>>
        %parallel_loop3A_567 = tpu.memref_squeeze %parallel_loop3A_566 : memref<1x256x100xf32, #tpu.memory_space<vmem>> -> memref<256x100xf32, #tpu.memory_space<vmem>>
        %parallel_loop3A_568 = tpu.vector_load_idx %parallel_loop3A_567[%parallel_loop3A_527, %parallel_loop3A_562] : memref<256x100xf32, #tpu.memory_space<vmem>>[vector<16xi32>, vector<16xi32>], vector<16xf32>,
        %parallel_loop3A_569 = arith.constant 5.000000e-01 : f32
        %parallel_loop3A_570 = vector.broadcast %parallel_loop3A_569 : f32 to vector<16xf32>
        %parallel_loop3A_571 = arith.cmpf ogt, %parallel_loop3A_568, %parallel_loop3A_570 : vector<16xf32>
        %parallel_loop3A_572 = arith.ori %parallel_loop3A_549, %parallel_loop3A_560 : vector<16xi1>
        %parallel_loop3A_573 = arith.ori %parallel_loop3A_572, %parallel_loop3A_571 : vector<16xi1>
        %parallel_loop3A_574 = arith.andi %parallel_loop3A_538, %parallel_loop3A_573 : vector<16xi1>
        %parallel_loop3A_575 = arith.constant 0 : i32
        %parallel_loop3A_576 = vector.broadcast %parallel_loop3A_575 : i32 to vector<16xi32>
        %parallel_loop3A_577 = arith.constant 0 : i32
        %parallel_loop3A_578 = arith.constant 0 : i32
        %parallel_loop3A_579 = arith.constant 16 : i32
        %parallel_loop3A_580 = arith.addi %parallel_loop3A_578, %parallel_loop3A_579 : i32
        %parallel_loop3A_581 = arith.constant 1 : i32
        %parallel_loop3A_582:4 = scf.for %scan3A_624 = %parallel_loop3A_578 to %parallel_loop3A_580 step %parallel_loop3A_581 iter_args(%scan3A_625 = %parallel_loop3A_576, %scan3A_626 = %parallel_loop3A_576, %scan3A_627 = %parallel_loop3A_576, %scan3A_628 = %parallel_loop3A_576) -> (vector<16xi32>, vector<16xi32>, vector<16xi32>, vector<16xi32>)  : i32 {
          %parallel_loop3A_629 = arith.constant 16 : i32
          %parallel_loop3A_630 = arith.muli %parallel_loop3A_523, %parallel_loop3A_629 : i32
          %parallel_loop3A_631 = arith.addi %parallel_loop3A_630, %scan3A_624 : i32
          %parallel_loop3A_632 = vector.broadcast %scan3A_624 : i32 to vector<16xi32>
          %parallel_loop3A_633 = arith.cmpi eq, %iota3A, %parallel_loop3A_632 : vector<16xi32>
          %parallel_loop3A_634 = arith.constant 0 : i32
          %parallel_loop3A_635 = arith.constant 0 : i32
          %parallel_loop3A_636 = tpu.memref_slice %arg4[%parallel_loop3A_577, %parallel_loop3A_634, %parallel_loop3A_635] : memref<4x256x100xf32, #tpu.memory_space<vmem>> -> memref<1x256x100xf32, #tpu.memory_space<vmem>>
          %parallel_loop3A_637 = tpu.memref_squeeze %parallel_loop3A_636 : memref<1x256x100xf32, #tpu.memory_space<vmem>> -> memref<256x100xf32, #tpu.memory_space<vmem>>
          %parallel_loop3A_638 = arith.index_cast %parallel_loop3A_631 : i32 to index
          %parallel_loop3A_639 = arith.constant 4 : index
          %parallel_loop3A_640 = tpu.vector_load %parallel_loop3A_637[%parallel_loop3A_638, %parallel_loop3A_639] {strides = array<i32>} : memref<256x100xf32, #tpu.memory_space<vmem>>, vector<16xf32>,
          %parallel_loop3A_641 = arith.constant 5.000000e-01 : f32
          %parallel_loop3A_642 = vector.broadcast %parallel_loop3A_641 : f32 to vector<16xf32>
          %parallel_loop3A_643 = arith.cmpf ogt, %parallel_loop3A_640, %parallel_loop3A_642 : vector<16xf32>
          %parallel_loop3A_644 = tpu.all_reduce %parallel_loop3A_643 {dim = 0 : i64, kind = #tpu.reduction_kind<find_first_set>} : vector<16xi1> -> vector<16xi32>
          %parallel_loop3A_645 = arith.select %parallel_loop3A_633, %parallel_loop3A_644, %scan3A_625 : vector<16xi1>, vector<16xi32>
          %parallel_loop3A_646 = arith.constant 0 : i32
          %parallel_loop3A_647 = arith.constant 0 : i32
          %parallel_loop3A_648 = tpu.memref_slice %arg4[%parallel_loop3A_577, %parallel_loop3A_646, %parallel_loop3A_647] : memref<4x256x100xf32, #tpu.memory_space<vmem>> -> memref<1x256x100xf32, #tpu.memory_space<vmem>>
          %parallel_loop3A_649 = tpu.memref_squeeze %parallel_loop3A_648 : memref<1x256x100xf32, #tpu.memory_space<vmem>> -> memref<256x100xf32, #tpu.memory_space<vmem>>
          %parallel_loop3A_650 = arith.index_cast %parallel_loop3A_631 : i32 to index
          %parallel_loop3A_651 = arith.constant 20 : index
          %parallel_loop3A_652 = tpu.vector_load %parallel_loop3A_649[%parallel_loop3A_650, %parallel_loop3A_651] {strides = array<i32>} : memref<256x100xf32, #tpu.memory_space<vmem>>, vector<16xf32>,
          %parallel_loop3A_653 = arith.constant 5.000000e-01 : f32
          %parallel_loop3A_654 = vector.broadcast %parallel_loop3A_653 : f32 to vector<16xf32>
          %parallel_loop3A_655 = arith.cmpf ogt, %parallel_loop3A_652, %parallel_loop3A_654 : vector<16xf32>
          %parallel_loop3A_656 = tpu.all_reduce %parallel_loop3A_655 {dim = 0 : i64, kind = #tpu.reduction_kind<find_first_set>} : vector<16xi1> -> vector<16xi32>
          %parallel_loop3A_657 = arith.select %parallel_loop3A_633, %parallel_loop3A_656, %scan3A_626 : vector<16xi1>, vector<16xi32>
          %parallel_loop3A_658 = arith.constant 0 : i32
          %parallel_loop3A_659 = arith.constant 0 : i32
          %parallel_loop3A_660 = tpu.memref_slice %arg4[%parallel_loop3A_577, %parallel_loop3A_658, %parallel_loop3A_659] : memref<4x256x100xf32, #tpu.memory_space<vmem>> -> memref<1x256x100xf32, #tpu.memory_space<vmem>>
          %parallel_loop3A_661 = tpu.memref_squeeze %parallel_loop3A_660 : memref<1x256x100xf32, #tpu.memory_space<vmem>> -> memref<256x100xf32, #tpu.memory_space<vmem>>
          %parallel_loop3A_662 = arith.index_cast %parallel_loop3A_631 : i32 to index
          %parallel_loop3A_663 = arith.constant 36 : index
          %parallel_loop3A_664 = tpu.vector_load %parallel_loop3A_661[%parallel_loop3A_662, %parallel_loop3A_663] {strides = array<i32>} : memref<256x100xf32, #tpu.memory_space<vmem>>, vector<16xf32>,
          %parallel_loop3A_665 = arith.constant 5.000000e-01 : f32
          %parallel_loop3A_666 = vector.broadcast %parallel_loop3A_665 : f32 to vector<16xf32>
          %parallel_loop3A_667 = arith.cmpf ogt, %parallel_loop3A_664, %parallel_loop3A_666 : vector<16xf32>
          %parallel_loop3A_668 = tpu.all_reduce %parallel_loop3A_667 {dim = 0 : i64, kind = #tpu.reduction_kind<find_first_set>} : vector<16xi1> -> vector<16xi32>
          %parallel_loop3A_669 = arith.select %parallel_loop3A_633, %parallel_loop3A_668, %scan3A_627 : vector<16xi1>, vector<16xi32>
          %parallel_loop3A_670 = arith.constant 0 : i32
          %parallel_loop3A_671 = arith.constant 0 : i32
          %parallel_loop3A_672 = tpu.memref_slice %arg4[%parallel_loop3A_577, %parallel_loop3A_670, %parallel_loop3A_671] : memref<4x256x100xf32, #tpu.memory_space<vmem>> -> memref<1x256x100xf32, #tpu.memory_space<vmem>>
          %parallel_loop3A_673 = tpu.memref_squeeze %parallel_loop3A_672 : memref<1x256x100xf32, #tpu.memory_space<vmem>> -> memref<256x100xf32, #tpu.memory_space<vmem>>
          %parallel_loop3A_674 = arith.index_cast %parallel_loop3A_631 : i32 to index
          %parallel_loop3A_675 = arith.constant 52 : index
          %parallel_loop3A_676 = tpu.vector_load %parallel_loop3A_673[%parallel_loop3A_674, %parallel_loop3A_675] {strides = array<i32>} : memref<256x100xf32, #tpu.memory_space<vmem>>, vector<16xf32>,
          %parallel_loop3A_677 = arith.constant 5.000000e-01 : f32
          %parallel_loop3A_678 = vector.broadcast %parallel_loop3A_677 : f32 to vector<16xf32>
          %parallel_loop3A_679 = arith.cmpf ogt, %parallel_loop3A_676, %parallel_loop3A_678 : vector<16xf32>
          %parallel_loop3A_680 = tpu.all_reduce %parallel_loop3A_679 {dim = 0 : i64, kind = #tpu.reduction_kind<find_first_set>} : vector<16xi1> -> vector<16xi32>
          %parallel_loop3A_681 = arith.select %parallel_loop3A_633, %parallel_loop3A_680, %scan3A_628 : vector<16xi1>, vector<16xi32>
          scf.yield %parallel_loop3A_645, %parallel_loop3A_657, %parallel_loop3A_669, %parallel_loop3A_681 : vector<16xi32>, vector<16xi32>, vector<16xi32>, vector<16xi32>
        }
        %parallel_loop3A_583 = arith.constant 16 : i32
        %parallel_loop3A_584 = arith.constant 15 : i32
        %parallel_loop3A_585 = vector.broadcast %parallel_loop3A_584 : i32 to vector<16xi32>
        %parallel_loop3A_586 = arith.andi %parallel_loop3A_582#0, %parallel_loop3A_585 : vector<16xi32>
        %parallel_loop3A_587 = arith.constant 15 : i32
        %parallel_loop3A_588 = vector.broadcast %parallel_loop3A_587 : i32 to vector<16xi32>
        %parallel_loop3A_589 = arith.andi %parallel_loop3A_582#1, %parallel_loop3A_588 : vector<16xi32>
        %parallel_loop3A_590 = arith.constant 15 : i32
        %parallel_loop3A_591 = vector.broadcast %parallel_loop3A_590 : i32 to vector<16xi32>
        %parallel_loop3A_592 = arith.andi %parallel_loop3A_582#2, %parallel_loop3A_591 : vector<16xi32>
        %parallel_loop3A_593 = arith.constant 15 : i32
        %parallel_loop3A_594 = vector.broadcast %parallel_loop3A_593 : i32 to vector<16xi32>
        %parallel_loop3A_595 = arith.andi %parallel_loop3A_582#3, %parallel_loop3A_594 : vector<16xi32>
        %parallel_loop3A_596 = arith.andi %parallel_loop3A_586, %parallel_loop3A_592 : vector<16xi32>
        %parallel_loop3A_597 = arith.ori %parallel_loop3A_586, %parallel_loop3A_592 : vector<16xi32>
        %parallel_loop3A_598 = arith.xori %parallel_loop3A_586, %parallel_loop3A_592 : vector<16xi32>
        %parallel_loop3A_599 = arith.select %parallel_loop3A_560, %parallel_loop3A_597, %parallel_loop3A_598 : vector<16xi1>, vector<16xi32>
        %parallel_loop3A_600 = arith.select %parallel_loop3A_549, %parallel_loop3A_596, %parallel_loop3A_599 : vector<16xi1>, vector<16xi32>
        %parallel_loop3A_601 = arith.andi %parallel_loop3A_589, %parallel_loop3A_595 : vector<16xi32>
        %parallel_loop3A_602 = arith.ori %parallel_loop3A_589, %parallel_loop3A_595 : vector<16xi32>
        %parallel_loop3A_603 = arith.xori %parallel_loop3A_589, %parallel_loop3A_595 : vector<16xi32>
        %parallel_loop3A_604 = arith.select %parallel_loop3A_560, %parallel_loop3A_602, %parallel_loop3A_603 : vector<16xi1>, vector<16xi32>
        %parallel_loop3A_605 = arith.select %parallel_loop3A_549, %parallel_loop3A_601, %parallel_loop3A_604 : vector<16xi1>, vector<16xi32>
        %parallel_loop3A_606 = arith.constant 2.000000e+00 : f32
        %parallel_loop3A_607 = vector.broadcast %parallel_loop3A_606 : f32 to vector<16xf32>
        %parallel_loop3A_608 = arith.constant 68 : i32
        %parallel_loop3A_609 = vector.broadcast %parallel_loop3A_608 : i32 to vector<16xi32>
        %parallel_loop3A_610 = arith.addi %parallel_loop3A_609, %parallel_loop3A_600 : vector<16xi32>
        %parallel_loop3A_611 = arith.constant 0 : i32
        %parallel_loop3A_612 = arith.constant 0 : i32
        %parallel_loop3A_613 = arith.constant 0 : i32
        %parallel_loop3A_614 = tpu.memref_slice %arg4[%parallel_loop3A_611, %parallel_loop3A_612, %parallel_loop3A_613] : memref<4x256x100xf32, #tpu.memory_space<vmem>> -> memref<1x256x100xf32, #tpu.memory_space<vmem>>
        %parallel_loop3A_615 = tpu.memref_squeeze %parallel_loop3A_614 : memref<1x256x100xf32, #tpu.memory_space<vmem>> -> memref<256x100xf32, #tpu.memory_space<vmem>>
        tpu.vector_store_idx %parallel_loop3A_615[%parallel_loop3A_527, %parallel_loop3A_610], %parallel_loop3A_607 masked %parallel_loop3A_574 {add = true} : memref<256x100xf32, #tpu.memory_space<vmem>>[vector<16xi32>, vector<16xi32>], vector<16xf32>, vector<16xi1>
        %parallel_loop3A_616 = arith.constant 84 : i32
        %parallel_loop3A_617 = vector.broadcast %parallel_loop3A_616 : i32 to vector<16xi32>
        %parallel_loop3A_618 = arith.addi %parallel_loop3A_617, %parallel_loop3A_605 : vector<16xi32>
        %parallel_loop3A_619 = arith.constant 0 : i32
        %parallel_loop3A_620 = arith.constant 0 : i32
        %parallel_loop3A_621 = arith.constant 0 : i32
        %parallel_loop3A_622 = tpu.memref_slice %arg4[%parallel_loop3A_619, %parallel_loop3A_620, %parallel_loop3A_621] : memref<4x256x100xf32, #tpu.memory_space<vmem>> -> memref<1x256x100xf32, #tpu.memory_space<vmem>>
        %parallel_loop3A_623 = tpu.memref_squeeze %parallel_loop3A_622 : memref<1x256x100xf32, #tpu.memory_space<vmem>> -> memref<256x100xf32, #tpu.memory_space<vmem>>
        tpu.vector_store_idx %parallel_loop3A_623[%parallel_loop3A_527, %parallel_loop3A_618], %parallel_loop3A_607 masked %parallel_loop3A_574 {add = true} : memref<256x100xf32, #tpu.memory_space<vmem>>[vector<16xi32>, vector<16xi32>], vector<16xf32>, vector<16xi1>
      } {sc.loop_unroll_factor = 1 : i64, sc.parallel_access}
      %add3A_295 = arith.constant 0 : i32
      %add3A_296 = arith.addi %mul3A_252, %add3A_295 : i32
      %mul3A_297 = arith.constant 256 : i32
      %mul3A_298 = arith.muli %add3A_296, %mul3A_297 : i32
      %add3A_299 = arith.addi %mul3A_32, %mul3A_298 : i32
      %dma_start3A_300 = arith.constant 0 : i32
      %dma_start3A_301 = arith.constant 0 : i32
      %dma_start3A_302 = arith.constant 0 : i32
      %dma_start3A_303 = tpu.memref_slice %arg4[%dma_start3A_300, %dma_start3A_301, %dma_start3A_302] : memref<4x256x100xf32, #tpu.memory_space<vmem>> -> memref<1x256x100xf32, #tpu.memory_space<vmem>>
      %dma_start3A_304 = tpu.memref_squeeze %dma_start3A_303 : memref<1x256x100xf32, #tpu.memory_space<vmem>> -> memref<256x100xf32, #tpu.memory_space<vmem>>
      %dma_start3A_305 = arith.constant 0 : i32
      %dma_start3A_306 = tpu.memref_slice %arg3[%select_n3A, %add3A_299, %dma_start3A_305] : memref<16x8192x100xf32, #tpu.memory_space<hbm>> -> memref<1x256x100xf32, #tpu.memory_space<hbm>>
      %dma_start3A_307 = tpu.memref_squeeze %dma_start3A_306 : memref<1x256x100xf32, #tpu.memory_space<hbm>> -> memref<256x100xf32, #tpu.memory_space<hbm>>
      %dma_start3A_308 = arith.constant 0 : i32
      %dma_start3A_309 = tpu.memref_slice %arg3[%select_n3A, %add3A_299, %dma_start3A_308] : memref<16x8192x100xf32, #tpu.memory_space<hbm>> -> memref<1x256x100xf32, #tpu.memory_space<hbm>>
      %dma_start3A_310 = tpu.memref_squeeze %dma_start3A_309 : memref<1x256x100xf32, #tpu.memory_space<hbm>> -> memref<256x100xf32, #tpu.memory_space<hbm>>
      %dma_start3A_311 = arith.constant 0 : i32
      %dma_start3A_312 = arith.constant 0 : i32
      %dma_start3A_313 = tpu.memref_slice %arg4[%dma_start3A_300, %dma_start3A_311, %dma_start3A_312] : memref<4x256x100xf32, #tpu.memory_space<vmem>> -> memref<1x256x100xf32, #tpu.memory_space<vmem>>
      %dma_start3A_314 = tpu.memref_squeeze %dma_start3A_313 : memref<1x256x100xf32, #tpu.memory_space<vmem>> -> memref<256x100xf32, #tpu.memory_space<vmem>>
      tpu.enqueue_dma source(%dma_start3A_314 : memref<256x100xf32, #tpu.memory_space<vmem>>) target(%dma_start3A_310 : memref<256x100xf32, #tpu.memory_space<hbm>>) target_semaphore(%arg9 : memref<!tpu.dma_semaphore, #tpu.memory_space<semaphore_mem>>)
      %add3A_315 = arith.constant 1 : i32
      %add3A_316 = arith.addi %mul3A_252, %add3A_315 : i32
      %mul3A_317 = arith.constant 256 : i32
      %mul3A_318 = arith.muli %add3A_316, %mul3A_317 : i32
      %add3A_319 = arith.addi %mul3A_32, %mul3A_318 : i32
      %dma_wait3A_320 = arith.constant 1 : i32
      %dma_wait3A_321 = arith.constant 0 : i32
      %dma_wait3A_322 = arith.constant 0 : i32
      %dma_wait3A_323 = tpu.memref_slice %arg4[%dma_wait3A_320, %dma_wait3A_321, %dma_wait3A_322] : memref<4x256x100xf32, #tpu.memory_space<vmem>> -> memref<1x128x100xf32, #tpu.memory_space<vmem>>
      %dma_wait3A_324 = tpu.memref_squeeze %dma_wait3A_323 : memref<1x128x100xf32, #tpu.memory_space<vmem>> -> memref<128x100xf32, #tpu.memory_space<vmem>>
      %dma_wait3A_325 = arith.constant 0 : i32
      %dma_wait3A_326 = tpu.memref_slice %arg2[%select_n3A, %add3A_319, %dma_wait3A_325] : memref<16x8192x100xf32, #tpu.memory_space<hbm>> -> memref<1x128x100xf32, #tpu.memory_space<hbm>>
      %dma_wait3A_327 = tpu.memref_squeeze %dma_wait3A_326 : memref<1x128x100xf32, #tpu.memory_space<hbm>> -> memref<128x100xf32, #tpu.memory_space<hbm>>
      %dma_wait3A_328 = arith.constant 0 : i32
      %dma_wait3A_329 = arith.constant 0 : i32
      %dma_wait3A_330 = tpu.memref_slice %arg4[%dma_wait3A_320, %dma_wait3A_328, %dma_wait3A_329] : memref<4x256x100xf32, #tpu.memory_space<vmem>> -> memref<1x128x100xf32, #tpu.memory_space<vmem>>
      %dma_wait3A_331 = tpu.memref_squeeze %dma_wait3A_330 : memref<1x128x100xf32, #tpu.memory_space<vmem>> -> memref<128x100xf32, #tpu.memory_space<vmem>>
      %dma_wait3A_332 = arith.constant 0 : i32
      %dma_wait3A_333 = tpu.memref_slice %arg2[%select_n3A, %add3A_319, %dma_wait3A_332] : memref<16x8192x100xf32, #tpu.memory_space<hbm>> -> memref<1x128x100xf32, #tpu.memory_space<hbm>>
      %dma_wait3A_334 = tpu.memref_squeeze %dma_wait3A_333 : memref<1x128x100xf32, #tpu.memory_space<hbm>> -> memref<128x100xf32, #tpu.memory_space<hbm>>
      tpu.wait_dma2 semaphore(%arg6 : memref<!tpu.dma_semaphore, #tpu.memory_space<semaphore_mem>>) src(%dma_wait3A_334 : memref<128x100xf32, #tpu.memory_space<hbm>>) dst(%dma_wait3A_331 : memref<128x100xf32, #tpu.memory_space<vmem>>)
      %mul3A_335 = arith.constant 256 : i32
      %mul3A_336 = arith.muli %add3A_316, %mul3A_335 : i32
      %add3A_337 = arith.addi %mul3A_32, %mul3A_336 : i32
      %add3A_338 = arith.constant 128 : i32
      %add3A_339 = arith.addi %add3A_337, %add3A_338 : i32
      %dma_wait3A_340 = arith.constant 1 : i32
      %dma_wait3A_341 = arith.constant 128 : i32
      %dma_wait3A_342 = arith.constant 0 : i32
      %dma_wait3A_343 = tpu.memref_slice %arg4[%dma_wait3A_340, %dma_wait3A_341, %dma_wait3A_342] : memref<4x256x100xf32, #tpu.memory_space<vmem>> -> memref<1x128x100xf32, #tpu.memory_space<vmem>>
      %dma_wait3A_344 = tpu.memref_squeeze %dma_wait3A_343 : memref<1x128x100xf32, #tpu.memory_space<vmem>> -> memref<128x100xf32, #tpu.memory_space<vmem>>
      %dma_wait3A_345 = arith.constant 0 : i32
      %dma_wait3A_346 = tpu.memref_slice %arg2[%select_n3A, %add3A_339, %dma_wait3A_345] : memref<16x8192x100xf32, #tpu.memory_space<hbm>> -> memref<1x128x100xf32, #tpu.memory_space<hbm>>
      %dma_wait3A_347 = tpu.memref_squeeze %dma_wait3A_346 : memref<1x128x100xf32, #tpu.memory_space<hbm>> -> memref<128x100xf32, #tpu.memory_space<hbm>>
      %dma_wait3A_348 = arith.constant 128 : i32
      %dma_wait3A_349 = arith.constant 0 : i32
      %dma_wait3A_350 = tpu.memref_slice %arg4[%dma_wait3A_340, %dma_wait3A_348, %dma_wait3A_349] : memref<4x256x100xf32, #tpu.memory_space<vmem>> -> memref<1x128x100xf32, #tpu.memory_space<vmem>>
      %dma_wait3A_351 = tpu.memref_squeeze %dma_wait3A_350 : memref<1x128x100xf32, #tpu.memory_space<vmem>> -> memref<128x100xf32, #tpu.memory_space<vmem>>
      %dma_wait3A_352 = arith.constant 0 : i32
      %dma_wait3A_353 = tpu.memref_slice %arg2[%select_n3A, %add3A_339, %dma_wait3A_352] : memref<16x8192x100xf32, #tpu.memory_space<hbm>> -> memref<1x128x100xf32, #tpu.memory_space<hbm>>
      %dma_wait3A_354 = tpu.memref_squeeze %dma_wait3A_353 : memref<1x128x100xf32, #tpu.memory_space<hbm>> -> memref<128x100xf32, #tpu.memory_space<hbm>>
      tpu.wait_dma2 semaphore(%arg14 : memref<!tpu.dma_semaphore, #tpu.memory_space<semaphore_mem>>) src(%dma_wait3A_354 : memref<128x100xf32, #tpu.memory_space<hbm>>) dst(%dma_wait3A_351 : memref<128x100xf32, #tpu.memory_space<vmem>>)
      %parallel_loop3A_355 = arith.constant 0 : i32
      %parallel_loop3A_356 = arith.constant 16 : i32
      %parallel_loop3A_357 = arith.constant 1 : i32
      scf.for %parallel_loop3A_523 = %parallel_loop3A_355 to %parallel_loop3A_356 step %parallel_loop3A_357  : i32 {
        %parallel_loop3A_524 = arith.constant 16 : i32
        %parallel_loop3A_525 = arith.muli %parallel_loop3A_523, %parallel_loop3A_524 : i32
        %parallel_loop3A_526 = vector.broadcast %parallel_loop3A_525 : i32 to vector<16xi32>
        %parallel_loop3A_527 = arith.addi %parallel_loop3A_526, %iota3A : vector<16xi32>
        %parallel_loop3A_528 = arith.constant 0 : i32
        %parallel_loop3A_529 = vector.broadcast %parallel_loop3A_528 : i32 to vector<16xi32>
        %parallel_loop3A_530 = arith.constant 1 : i32
        %parallel_loop3A_531 = arith.constant 0 : i32
        %parallel_loop3A_532 = arith.constant 0 : i32
        %parallel_loop3A_533 = tpu.memref_slice %arg4[%parallel_loop3A_530, %parallel_loop3A_531, %parallel_loop3A_532] : memref<4x256x100xf32, #tpu.memory_space<vmem>> -> memref<1x256x100xf32, #tpu.memory_space<vmem>>
        %parallel_loop3A_534 = tpu.memref_squeeze %parallel_loop3A_533 : memref<1x256x100xf32, #tpu.memory_space<vmem>> -> memref<256x100xf32, #tpu.memory_space<vmem>>
        %parallel_loop3A_535 = tpu.vector_load_idx %parallel_loop3A_534[%parallel_loop3A_527, %parallel_loop3A_529] : memref<256x100xf32, #tpu.memory_space<vmem>>[vector<16xi32>, vector<16xi32>], vector<16xf32>,
        %parallel_loop3A_536 = arith.constant 5.000000e-01 : f32
        %parallel_loop3A_537 = vector.broadcast %parallel_loop3A_536 : f32 to vector<16xf32>
        %parallel_loop3A_538 = arith.cmpf oge, %parallel_loop3A_535, %parallel_loop3A_537 : vector<16xf32>
        %parallel_loop3A_539 = arith.constant 1 : i32
        %parallel_loop3A_540 = vector.broadcast %parallel_loop3A_539 : i32 to vector<16xi32>
        %parallel_loop3A_541 = arith.constant 1 : i32
        %parallel_loop3A_542 = arith.constant 0 : i32
        %parallel_loop3A_543 = arith.constant 0 : i32
        %parallel_loop3A_544 = tpu.memref_slice %arg4[%parallel_loop3A_541, %parallel_loop3A_542, %parallel_loop3A_543] : memref<4x256x100xf32, #tpu.memory_space<vmem>> -> memref<1x256x100xf32, #tpu.memory_space<vmem>>
        %parallel_loop3A_545 = tpu.memref_squeeze %parallel_loop3A_544 : memref<1x256x100xf32, #tpu.memory_space<vmem>> -> memref<256x100xf32, #tpu.memory_space<vmem>>
        %parallel_loop3A_546 = tpu.vector_load_idx %parallel_loop3A_545[%parallel_loop3A_527, %parallel_loop3A_540] : memref<256x100xf32, #tpu.memory_space<vmem>>[vector<16xi32>, vector<16xi32>], vector<16xf32>,
        %parallel_loop3A_547 = arith.constant 5.000000e-01 : f32
        %parallel_loop3A_548 = vector.broadcast %parallel_loop3A_547 : f32 to vector<16xf32>
        %parallel_loop3A_549 = arith.cmpf ogt, %parallel_loop3A_546, %parallel_loop3A_548 : vector<16xf32>
        %parallel_loop3A_550 = arith.constant 2 : i32
        %parallel_loop3A_551 = vector.broadcast %parallel_loop3A_550 : i32 to vector<16xi32>
        %parallel_loop3A_552 = arith.constant 1 : i32
        %parallel_loop3A_553 = arith.constant 0 : i32
        %parallel_loop3A_554 = arith.constant 0 : i32
        %parallel_loop3A_555 = tpu.memref_slice %arg4[%parallel_loop3A_552, %parallel_loop3A_553, %parallel_loop3A_554] : memref<4x256x100xf32, #tpu.memory_space<vmem>> -> memref<1x256x100xf32, #tpu.memory_space<vmem>>
        %parallel_loop3A_556 = tpu.memref_squeeze %parallel_loop3A_555 : memref<1x256x100xf32, #tpu.memory_space<vmem>> -> memref<256x100xf32, #tpu.memory_space<vmem>>
        %parallel_loop3A_557 = tpu.vector_load_idx %parallel_loop3A_556[%parallel_loop3A_527, %parallel_loop3A_551] : memref<256x100xf32, #tpu.memory_space<vmem>>[vector<16xi32>, vector<16xi32>], vector<16xf32>,
        %parallel_loop3A_558 = arith.constant 5.000000e-01 : f32
        %parallel_loop3A_559 = vector.broadcast %parallel_loop3A_558 : f32 to vector<16xf32>
        %parallel_loop3A_560 = arith.cmpf ogt, %parallel_loop3A_557, %parallel_loop3A_559 : vector<16xf32>
        %parallel_loop3A_561 = arith.constant 3 : i32
        %parallel_loop3A_562 = vector.broadcast %parallel_loop3A_561 : i32 to vector<16xi32>
        %parallel_loop3A_563 = arith.constant 1 : i32
        %parallel_loop3A_564 = arith.constant 0 : i32
        %parallel_loop3A_565 = arith.constant 0 : i32
        %parallel_loop3A_566 = tpu.memref_slice %arg4[%parallel_loop3A_563, %parallel_loop3A_564, %parallel_loop3A_565] : memref<4x256x100xf32, #tpu.memory_space<vmem>> -> memref<1x256x100xf32, #tpu.memory_space<vmem>>
        %parallel_loop3A_567 = tpu.memref_squeeze %parallel_loop3A_566 : memref<1x256x100xf32, #tpu.memory_space<vmem>> -> memref<256x100xf32, #tpu.memory_space<vmem>>
        %parallel_loop3A_568 = tpu.vector_load_idx %parallel_loop3A_567[%parallel_loop3A_527, %parallel_loop3A_562] : memref<256x100xf32, #tpu.memory_space<vmem>>[vector<16xi32>, vector<16xi32>], vector<16xf32>,
        %parallel_loop3A_569 = arith.constant 5.000000e-01 : f32
        %parallel_loop3A_570 = vector.broadcast %parallel_loop3A_569 : f32 to vector<16xf32>
        %parallel_loop3A_571 = arith.cmpf ogt, %parallel_loop3A_568, %parallel_loop3A_570 : vector<16xf32>
        %parallel_loop3A_572 = arith.ori %parallel_loop3A_549, %parallel_loop3A_560 : vector<16xi1>
        %parallel_loop3A_573 = arith.ori %parallel_loop3A_572, %parallel_loop3A_571 : vector<16xi1>
        %parallel_loop3A_574 = arith.andi %parallel_loop3A_538, %parallel_loop3A_573 : vector<16xi1>
        %parallel_loop3A_575 = arith.constant 0 : i32
        %parallel_loop3A_576 = vector.broadcast %parallel_loop3A_575 : i32 to vector<16xi32>
        %parallel_loop3A_577 = arith.constant 1 : i32
        %parallel_loop3A_578 = arith.constant 0 : i32
        %parallel_loop3A_579 = arith.constant 16 : i32
        %parallel_loop3A_580 = arith.addi %parallel_loop3A_578, %parallel_loop3A_579 : i32
        %parallel_loop3A_581 = arith.constant 1 : i32
        %parallel_loop3A_582:4 = scf.for %scan3A_624 = %parallel_loop3A_578 to %parallel_loop3A_580 step %parallel_loop3A_581 iter_args(%scan3A_625 = %parallel_loop3A_576, %scan3A_626 = %parallel_loop3A_576, %scan3A_627 = %parallel_loop3A_576, %scan3A_628 = %parallel_loop3A_576) -> (vector<16xi32>, vector<16xi32>, vector<16xi32>, vector<16xi32>)  : i32 {
          %parallel_loop3A_629 = arith.constant 16 : i32
          %parallel_loop3A_630 = arith.muli %parallel_loop3A_523, %parallel_loop3A_629 : i32
          %parallel_loop3A_631 = arith.addi %parallel_loop3A_630, %scan3A_624 : i32
          %parallel_loop3A_632 = vector.broadcast %scan3A_624 : i32 to vector<16xi32>
          %parallel_loop3A_633 = arith.cmpi eq, %iota3A, %parallel_loop3A_632 : vector<16xi32>
          %parallel_loop3A_634 = arith.constant 0 : i32
          %parallel_loop3A_635 = arith.constant 0 : i32
          %parallel_loop3A_636 = tpu.memref_slice %arg4[%parallel_loop3A_577, %parallel_loop3A_634, %parallel_loop3A_635] : memref<4x256x100xf32, #tpu.memory_space<vmem>> -> memref<1x256x100xf32, #tpu.memory_space<vmem>>
          %parallel_loop3A_637 = tpu.memref_squeeze %parallel_loop3A_636 : memref<1x256x100xf32, #tpu.memory_space<vmem>> -> memref<256x100xf32, #tpu.memory_space<vmem>>
          %parallel_loop3A_638 = arith.index_cast %parallel_loop3A_631 : i32 to index
          %parallel_loop3A_639 = arith.constant 4 : index
          %parallel_loop3A_640 = tpu.vector_load %parallel_loop3A_637[%parallel_loop3A_638, %parallel_loop3A_639] {strides = array<i32>} : memref<256x100xf32, #tpu.memory_space<vmem>>, vector<16xf32>,
          %parallel_loop3A_641 = arith.constant 5.000000e-01 : f32
          %parallel_loop3A_642 = vector.broadcast %parallel_loop3A_641 : f32 to vector<16xf32>
          %parallel_loop3A_643 = arith.cmpf ogt, %parallel_loop3A_640, %parallel_loop3A_642 : vector<16xf32>
          %parallel_loop3A_644 = tpu.all_reduce %parallel_loop3A_643 {dim = 0 : i64, kind = #tpu.reduction_kind<find_first_set>} : vector<16xi1> -> vector<16xi32>
          %parallel_loop3A_645 = arith.select %parallel_loop3A_633, %parallel_loop3A_644, %scan3A_625 : vector<16xi1>, vector<16xi32>
          %parallel_loop3A_646 = arith.constant 0 : i32
          %parallel_loop3A_647 = arith.constant 0 : i32
          %parallel_loop3A_648 = tpu.memref_slice %arg4[%parallel_loop3A_577, %parallel_loop3A_646, %parallel_loop3A_647] : memref<4x256x100xf32, #tpu.memory_space<vmem>> -> memref<1x256x100xf32, #tpu.memory_space<vmem>>
          %parallel_loop3A_649 = tpu.memref_squeeze %parallel_loop3A_648 : memref<1x256x100xf32, #tpu.memory_space<vmem>> -> memref<256x100xf32, #tpu.memory_space<vmem>>
          %parallel_loop3A_650 = arith.index_cast %parallel_loop3A_631 : i32 to index
          %parallel_loop3A_651 = arith.constant 20 : index
          %parallel_loop3A_652 = tpu.vector_load %parallel_loop3A_649[%parallel_loop3A_650, %parallel_loop3A_651] {strides = array<i32>} : memref<256x100xf32, #tpu.memory_space<vmem>>, vector<16xf32>,
          %parallel_loop3A_653 = arith.constant 5.000000e-01 : f32
          %parallel_loop3A_654 = vector.broadcast %parallel_loop3A_653 : f32 to vector<16xf32>
          %parallel_loop3A_655 = arith.cmpf ogt, %parallel_loop3A_652, %parallel_loop3A_654 : vector<16xf32>
          %parallel_loop3A_656 = tpu.all_reduce %parallel_loop3A_655 {dim = 0 : i64, kind = #tpu.reduction_kind<find_first_set>} : vector<16xi1> -> vector<16xi32>
          %parallel_loop3A_657 = arith.select %parallel_loop3A_633, %parallel_loop3A_656, %scan3A_626 : vector<16xi1>, vector<16xi32>
          %parallel_loop3A_658 = arith.constant 0 : i32
          %parallel_loop3A_659 = arith.constant 0 : i32
          %parallel_loop3A_660 = tpu.memref_slice %arg4[%parallel_loop3A_577, %parallel_loop3A_658, %parallel_loop3A_659] : memref<4x256x100xf32, #tpu.memory_space<vmem>> -> memref<1x256x100xf32, #tpu.memory_space<vmem>>
          %parallel_loop3A_661 = tpu.memref_squeeze %parallel_loop3A_660 : memref<1x256x100xf32, #tpu.memory_space<vmem>> -> memref<256x100xf32, #tpu.memory_space<vmem>>
          %parallel_loop3A_662 = arith.index_cast %parallel_loop3A_631 : i32 to index
          %parallel_loop3A_663 = arith.constant 36 : index
          %parallel_loop3A_664 = tpu.vector_load %parallel_loop3A_661[%parallel_loop3A_662, %parallel_loop3A_663] {strides = array<i32>} : memref<256x100xf32, #tpu.memory_space<vmem>>, vector<16xf32>,
          %parallel_loop3A_665 = arith.constant 5.000000e-01 : f32
          %parallel_loop3A_666 = vector.broadcast %parallel_loop3A_665 : f32 to vector<16xf32>
          %parallel_loop3A_667 = arith.cmpf ogt, %parallel_loop3A_664, %parallel_loop3A_666 : vector<16xf32>
          %parallel_loop3A_668 = tpu.all_reduce %parallel_loop3A_667 {dim = 0 : i64, kind = #tpu.reduction_kind<find_first_set>} : vector<16xi1> -> vector<16xi32>
          %parallel_loop3A_669 = arith.select %parallel_loop3A_633, %parallel_loop3A_668, %scan3A_627 : vector<16xi1>, vector<16xi32>
          %parallel_loop3A_670 = arith.constant 0 : i32
          %parallel_loop3A_671 = arith.constant 0 : i32
          %parallel_loop3A_672 = tpu.memref_slice %arg4[%parallel_loop3A_577, %parallel_loop3A_670, %parallel_loop3A_671] : memref<4x256x100xf32, #tpu.memory_space<vmem>> -> memref<1x256x100xf32, #tpu.memory_space<vmem>>
          %parallel_loop3A_673 = tpu.memref_squeeze %parallel_loop3A_672 : memref<1x256x100xf32, #tpu.memory_space<vmem>> -> memref<256x100xf32, #tpu.memory_space<vmem>>
          %parallel_loop3A_674 = arith.index_cast %parallel_loop3A_631 : i32 to index
          %parallel_loop3A_675 = arith.constant 52 : index
          %parallel_loop3A_676 = tpu.vector_load %parallel_loop3A_673[%parallel_loop3A_674, %parallel_loop3A_675] {strides = array<i32>} : memref<256x100xf32, #tpu.memory_space<vmem>>, vector<16xf32>,
          %parallel_loop3A_677 = arith.constant 5.000000e-01 : f32
          %parallel_loop3A_678 = vector.broadcast %parallel_loop3A_677 : f32 to vector<16xf32>
          %parallel_loop3A_679 = arith.cmpf ogt, %parallel_loop3A_676, %parallel_loop3A_678 : vector<16xf32>
          %parallel_loop3A_680 = tpu.all_reduce %parallel_loop3A_679 {dim = 0 : i64, kind = #tpu.reduction_kind<find_first_set>} : vector<16xi1> -> vector<16xi32>
          %parallel_loop3A_681 = arith.select %parallel_loop3A_633, %parallel_loop3A_680, %scan3A_628 : vector<16xi1>, vector<16xi32>
          scf.yield %parallel_loop3A_645, %parallel_loop3A_657, %parallel_loop3A_669, %parallel_loop3A_681 : vector<16xi32>, vector<16xi32>, vector<16xi32>, vector<16xi32>
        }
        %parallel_loop3A_583 = arith.constant 16 : i32
        %parallel_loop3A_584 = arith.constant 15 : i32
        %parallel_loop3A_585 = vector.broadcast %parallel_loop3A_584 : i32 to vector<16xi32>
        %parallel_loop3A_586 = arith.andi %parallel_loop3A_582#0, %parallel_loop3A_585 : vector<16xi32>
        %parallel_loop3A_587 = arith.constant 15 : i32
        %parallel_loop3A_588 = vector.broadcast %parallel_loop3A_587 : i32 to vector<16xi32>
        %parallel_loop3A_589 = arith.andi %parallel_loop3A_582#1, %parallel_loop3A_588 : vector<16xi32>
        %parallel_loop3A_590 = arith.constant 15 : i32
        %parallel_loop3A_591 = vector.broadcast %parallel_loop3A_590 : i32 to vector<16xi32>
        %parallel_loop3A_592 = arith.andi %parallel_loop3A_582#2, %parallel_loop3A_591 : vector<16xi32>
        %parallel_loop3A_593 = arith.constant 15 : i32
        %parallel_loop3A_594 = vector.broadcast %parallel_loop3A_593 : i32 to vector<16xi32>
        %parallel_loop3A_595 = arith.andi %parallel_loop3A_582#3, %parallel_loop3A_594 : vector<16xi32>
        %parallel_loop3A_596 = arith.andi %parallel_loop3A_586, %parallel_loop3A_592 : vector<16xi32>
        %parallel_loop3A_597 = arith.ori %parallel_loop3A_586, %parallel_loop3A_592 : vector<16xi32>
        %parallel_loop3A_598 = arith.xori %parallel_loop3A_586, %parallel_loop3A_592 : vector<16xi32>
        %parallel_loop3A_599 = arith.select %parallel_loop3A_560, %parallel_loop3A_597, %parallel_loop3A_598 : vector<16xi1>, vector<16xi32>
        %parallel_loop3A_600 = arith.select %parallel_loop3A_549, %parallel_loop3A_596, %parallel_loop3A_599 : vector<16xi1>, vector<16xi32>
        %parallel_loop3A_601 = arith.andi %parallel_loop3A_589, %parallel_loop3A_595 : vector<16xi32>
        %parallel_loop3A_602 = arith.ori %parallel_loop3A_589, %parallel_loop3A_595 : vector<16xi32>
        %parallel_loop3A_603 = arith.xori %parallel_loop3A_589, %parallel_loop3A_595 : vector<16xi32>
        %parallel_loop3A_604 = arith.select %parallel_loop3A_560, %parallel_loop3A_602, %parallel_loop3A_603 : vector<16xi1>, vector<16xi32>
        %parallel_loop3A_605 = arith.select %parallel_loop3A_549, %parallel_loop3A_601, %parallel_loop3A_604 : vector<16xi1>, vector<16xi32>
        %parallel_loop3A_606 = arith.constant 2.000000e+00 : f32
        %parallel_loop3A_607 = vector.broadcast %parallel_loop3A_606 : f32 to vector<16xf32>
        %parallel_loop3A_608 = arith.constant 68 : i32
        %parallel_loop3A_609 = vector.broadcast %parallel_loop3A_608 : i32 to vector<16xi32>
        %parallel_loop3A_610 = arith.addi %parallel_loop3A_609, %parallel_loop3A_600 : vector<16xi32>
        %parallel_loop3A_611 = arith.constant 1 : i32
        %parallel_loop3A_612 = arith.constant 0 : i32
        %parallel_loop3A_613 = arith.constant 0 : i32
        %parallel_loop3A_614 = tpu.memref_slice %arg4[%parallel_loop3A_611, %parallel_loop3A_612, %parallel_loop3A_613] : memref<4x256x100xf32, #tpu.memory_space<vmem>> -> memref<1x256x100xf32, #tpu.memory_space<vmem>>
        %parallel_loop3A_615 = tpu.memref_squeeze %parallel_loop3A_614 : memref<1x256x100xf32, #tpu.memory_space<vmem>> -> memref<256x100xf32, #tpu.memory_space<vmem>>
        tpu.vector_store_idx %parallel_loop3A_615[%parallel_loop3A_527, %parallel_loop3A_610], %parallel_loop3A_607 masked %parallel_loop3A_574 {add = true} : memref<256x100xf32, #tpu.memory_space<vmem>>[vector<16xi32>, vector<16xi32>], vector<16xf32>, vector<16xi1>
        %parallel_loop3A_616 = arith.constant 84 : i32
        %parallel_loop3A_617 = vector.broadcast %parallel_loop3A_616 : i32 to vector<16xi32>
        %parallel_loop3A_618 = arith.addi %parallel_loop3A_617, %parallel_loop3A_605 : vector<16xi32>
        %parallel_loop3A_619 = arith.constant 1 : i32
        %parallel_loop3A_620 = arith.constant 0 : i32
        %parallel_loop3A_621 = arith.constant 0 : i32
        %parallel_loop3A_622 = tpu.memref_slice %arg4[%parallel_loop3A_619, %parallel_loop3A_620, %parallel_loop3A_621] : memref<4x256x100xf32, #tpu.memory_space<vmem>> -> memref<1x256x100xf32, #tpu.memory_space<vmem>>
        %parallel_loop3A_623 = tpu.memref_squeeze %parallel_loop3A_622 : memref<1x256x100xf32, #tpu.memory_space<vmem>> -> memref<256x100xf32, #tpu.memory_space<vmem>>
        tpu.vector_store_idx %parallel_loop3A_623[%parallel_loop3A_527, %parallel_loop3A_618], %parallel_loop3A_607 masked %parallel_loop3A_574 {add = true} : memref<256x100xf32, #tpu.memory_space<vmem>>[vector<16xi32>, vector<16xi32>], vector<16xf32>, vector<16xi1>
      } {sc.loop_unroll_factor = 1 : i64, sc.parallel_access}
      %add3A_358 = arith.constant 1 : i32
      %add3A_359 = arith.addi %mul3A_252, %add3A_358 : i32
      %mul3A_360 = arith.constant 256 : i32
      %mul3A_361 = arith.muli %add3A_359, %mul3A_360 : i32
      %add3A_362 = arith.addi %mul3A_32, %mul3A_361 : i32
      %dma_start3A_363 = arith.constant 1 : i32
      %dma_start3A_364 = arith.constant 0 : i32
      %dma_start3A_365 = arith.constant 0 : i32
      %dma_start3A_366 = tpu.memref_slice %arg4[%dma_start3A_363, %dma_start3A_364, %dma_start3A_365] : memref<4x256x100xf32, #tpu.memory_space<vmem>> -> memref<1x256x100xf32, #tpu.memory_space<vmem>>
      %dma_start3A_367 = tpu.memref_squeeze %dma_start3A_366 : memref<1x256x100xf32, #tpu.memory_space<vmem>> -> memref<256x100xf32, #tpu.memory_space<vmem>>
      %dma_start3A_368 = arith.constant 0 : i32
      %dma_start3A_369 = tpu.memref_slice %arg3[%select_n3A, %add3A_362, %dma_start3A_368] : memref<16x8192x100xf32, #tpu.memory_space<hbm>> -> memref<1x256x100xf32, #tpu.memory_space<hbm>>
      %dma_start3A_370 = tpu.memref_squeeze %dma_start3A_369 : memref<1x256x100xf32, #tpu.memory_space<hbm>> -> memref<256x100xf32, #tpu.memory_space<hbm>>
      %dma_start3A_371 = arith.constant 0 : i32
      %dma_start3A_372 = tpu.memref_slice %arg3[%select_n3A, %add3A_362, %dma_start3A_371] : memref<16x8192x100xf32, #tpu.memory_space<hbm>> -> memref<1x256x100xf32, #tpu.memory_space<hbm>>
      %dma_start3A_373 = tpu.memref_squeeze %dma_start3A_372 : memref<1x256x100xf32, #tpu.memory_space<hbm>> -> memref<256x100xf32, #tpu.memory_space<hbm>>
      %dma_start3A_374 = arith.constant 0 : i32
      %dma_start3A_375 = arith.constant 0 : i32
      %dma_start3A_376 = tpu.memref_slice %arg4[%dma_start3A_363, %dma_start3A_374, %dma_start3A_375] : memref<4x256x100xf32, #tpu.memory_space<vmem>> -> memref<1x256x100xf32, #tpu.memory_space<vmem>>
      %dma_start3A_377 = tpu.memref_squeeze %dma_start3A_376 : memref<1x256x100xf32, #tpu.memory_space<vmem>> -> memref<256x100xf32, #tpu.memory_space<vmem>>
      tpu.enqueue_dma source(%dma_start3A_377 : memref<256x100xf32, #tpu.memory_space<vmem>>) target(%dma_start3A_373 : memref<256x100xf32, #tpu.memory_space<hbm>>) target_semaphore(%arg10 : memref<!tpu.dma_semaphore, #tpu.memory_space<semaphore_mem>>)
      %lt3A_378 = arith.constant 3 : i32
      %lt3A_379 = arith.cmpi slt, %scan3A_249, %lt3A_378 : i32
      %convert_element_type3A = arith.extui %lt3A_379 : i1 to i32
      %cond3A = arith.constant 0 : i32
      %cond3A_380 = arith.cmpi ne, %convert_element_type3A, %cond3A : i32
      scf.if %cond3A_380 {
        %add3A_523 = arith.constant 0 : i32
        %add3A_524 = arith.addi %mul3A_252, %add3A_523 : i32
        %mul3A_525 = arith.constant 256 : i32
        %mul3A_526 = arith.muli %add3A_524, %mul3A_525 : i32
        %add3A_527 = arith.addi %mul3A_32, %mul3A_526 : i32
        %dma_wait3A_528 = arith.constant 0 : i32
        %dma_wait3A_529 = arith.constant 0 : i32
        %dma_wait3A_530 = arith.constant 0 : i32
        %dma_wait3A_531 = tpu.memref_slice %arg4[%dma_wait3A_528, %dma_wait3A_529, %dma_wait3A_530] : memref<4x256x100xf32, #tpu.memory_space<vmem>> -> memref<1x256x100xf32, #tpu.memory_space<vmem>>
        %dma_wait3A_532 = tpu.memref_squeeze %dma_wait3A_531 : memref<1x256x100xf32, #tpu.memory_space<vmem>> -> memref<256x100xf32, #tpu.memory_space<vmem>>
        %dma_wait3A_533 = arith.constant 0 : i32
        %dma_wait3A_534 = tpu.memref_slice %arg3[%select_n3A, %add3A_527, %dma_wait3A_533] : memref<16x8192x100xf32, #tpu.memory_space<hbm>> -> memref<1x256x100xf32, #tpu.memory_space<hbm>>
        %dma_wait3A_535 = tpu.memref_squeeze %dma_wait3A_534 : memref<1x256x100xf32, #tpu.memory_space<hbm>> -> memref<256x100xf32, #tpu.memory_space<hbm>>
        %dma_wait3A_536 = arith.constant 0 : i32
        %dma_wait3A_537 = tpu.memref_slice %arg3[%select_n3A, %add3A_527, %dma_wait3A_536] : memref<16x8192x100xf32, #tpu.memory_space<hbm>> -> memref<1x256x100xf32, #tpu.memory_space<hbm>>
        %dma_wait3A_538 = tpu.memref_squeeze %dma_wait3A_537 : memref<1x256x100xf32, #tpu.memory_space<hbm>> -> memref<256x100xf32, #tpu.memory_space<hbm>>
        %dma_wait3A_539 = arith.constant 0 : i32
        %dma_wait3A_540 = arith.constant 0 : i32
        %dma_wait3A_541 = tpu.memref_slice %arg4[%dma_wait3A_528, %dma_wait3A_539, %dma_wait3A_540] : memref<4x256x100xf32, #tpu.memory_space<vmem>> -> memref<1x256x100xf32, #tpu.memory_space<vmem>>
        %dma_wait3A_542 = tpu.memref_squeeze %dma_wait3A_541 : memref<1x256x100xf32, #tpu.memory_space<vmem>> -> memref<256x100xf32, #tpu.memory_space<vmem>>
        tpu.wait_dma2 semaphore(%arg9 : memref<!tpu.dma_semaphore, #tpu.memory_space<semaphore_mem>>) src(%dma_wait3A_542 : memref<256x100xf32, #tpu.memory_space<vmem>>) dst(%dma_wait3A_538 : memref<256x100xf32, #tpu.memory_space<hbm>>)
        %add3A_543 = arith.constant 0 : i32
        %add3A_544 = arith.addi %mul3A_252, %add3A_543 : i32
        %add3A_545 = arith.constant 4 : i32
        %add3A_546 = arith.addi %add3A_544, %add3A_545 : i32
        %mul3A_547 = arith.constant 256 : i32
        %mul3A_548 = arith.muli %add3A_546, %mul3A_547 : i32
        %add3A_549 = arith.addi %mul3A_32, %mul3A_548 : i32
        %dma_start3A_550 = arith.constant 0 : i32
        %dma_start3A_551 = arith.constant 0 : i32
        %dma_start3A_552 = arith.constant 0 : i32
        %dma_start3A_553 = tpu.memref_slice %arg4[%dma_start3A_550, %dma_start3A_551, %dma_start3A_552] : memref<4x256x100xf32, #tpu.memory_space<vmem>> -> memref<1x128x100xf32, #tpu.memory_space<vmem>>
        %dma_start3A_554 = tpu.memref_squeeze %dma_start3A_553 : memref<1x128x100xf32, #tpu.memory_space<vmem>> -> memref<128x100xf32, #tpu.memory_space<vmem>>
        %dma_start3A_555 = arith.constant 0 : i32
        %dma_start3A_556 = tpu.memref_slice %arg2[%select_n3A, %add3A_549, %dma_start3A_555] : memref<16x8192x100xf32, #tpu.memory_space<hbm>> -> memref<1x128x100xf32, #tpu.memory_space<hbm>>
        %dma_start3A_557 = tpu.memref_squeeze %dma_start3A_556 : memref<1x128x100xf32, #tpu.memory_space<hbm>> -> memref<128x100xf32, #tpu.memory_space<hbm>>
        %dma_start3A_558 = arith.constant 0 : i32
        %dma_start3A_559 = arith.constant 0 : i32
        %dma_start3A_560 = tpu.memref_slice %arg4[%dma_start3A_550, %dma_start3A_558, %dma_start3A_559] : memref<4x256x100xf32, #tpu.memory_space<vmem>> -> memref<1x128x100xf32, #tpu.memory_space<vmem>>
        %dma_start3A_561 = tpu.memref_squeeze %dma_start3A_560 : memref<1x128x100xf32, #tpu.memory_space<vmem>> -> memref<128x100xf32, #tpu.memory_space<vmem>>
        %dma_start3A_562 = arith.constant 0 : i32
        %dma_start3A_563 = tpu.memref_slice %arg2[%select_n3A, %add3A_549, %dma_start3A_562] : memref<16x8192x100xf32, #tpu.memory_space<hbm>> -> memref<1x128x100xf32, #tpu.memory_space<hbm>>
        %dma_start3A_564 = tpu.memref_squeeze %dma_start3A_563 : memref<1x128x100xf32, #tpu.memory_space<hbm>> -> memref<128x100xf32, #tpu.memory_space<hbm>>
        tpu.enqueue_dma source(%dma_start3A_564 : memref<128x100xf32, #tpu.memory_space<hbm>>) target(%dma_start3A_561 : memref<128x100xf32, #tpu.memory_space<vmem>>) target_semaphore(%arg5 : memref<!tpu.dma_semaphore, #tpu.memory_space<semaphore_mem>>)
        %mul3A_565 = arith.constant 256 : i32
        %mul3A_566 = arith.muli %add3A_546, %mul3A_565 : i32
        %add3A_567 = arith.addi %mul3A_32, %mul3A_566 : i32
        %add3A_568 = arith.constant 128 : i32
        %add3A_569 = arith.addi %add3A_567, %add3A_568 : i32
        %dma_start3A_570 = arith.constant 0 : i32
        %dma_start3A_571 = arith.constant 128 : i32
        %dma_start3A_572 = arith.constant 0 : i32
        %dma_start3A_573 = tpu.memref_slice %arg4[%dma_start3A_570, %dma_start3A_571, %dma_start3A_572] : memref<4x256x100xf32, #tpu.memory_space<vmem>> -> memref<1x128x100xf32, #tpu.memory_space<vmem>>
        %dma_start3A_574 = tpu.memref_squeeze %dma_start3A_573 : memref<1x128x100xf32, #tpu.memory_space<vmem>> -> memref<128x100xf32, #tpu.memory_space<vmem>>
        %dma_start3A_575 = arith.constant 0 : i32
        %dma_start3A_576 = tpu.memref_slice %arg2[%select_n3A, %add3A_569, %dma_start3A_575] : memref<16x8192x100xf32, #tpu.memory_space<hbm>> -> memref<1x128x100xf32, #tpu.memory_space<hbm>>
        %dma_start3A_577 = tpu.memref_squeeze %dma_start3A_576 : memref<1x128x100xf32, #tpu.memory_space<hbm>> -> memref<128x100xf32, #tpu.memory_space<hbm>>
        %dma_start3A_578 = arith.constant 128 : i32
        %dma_start3A_579 = arith.constant 0 : i32
        %dma_start3A_580 = tpu.memref_slice %arg4[%dma_start3A_570, %dma_start3A_578, %dma_start3A_579] : memref<4x256x100xf32, #tpu.memory_space<vmem>> -> memref<1x128x100xf32, #tpu.memory_space<vmem>>
        %dma_start3A_581 = tpu.memref_squeeze %dma_start3A_580 : memref<1x128x100xf32, #tpu.memory_space<vmem>> -> memref<128x100xf32, #tpu.memory_space<vmem>>
        %dma_start3A_582 = arith.constant 0 : i32
        %dma_start3A_583 = tpu.memref_slice %arg2[%select_n3A, %add3A_569, %dma_start3A_582] : memref<16x8192x100xf32, #tpu.memory_space<hbm>> -> memref<1x128x100xf32, #tpu.memory_space<hbm>>
        %dma_start3A_584 = tpu.memref_squeeze %dma_start3A_583 : memref<1x128x100xf32, #tpu.memory_space<hbm>> -> memref<128x100xf32, #tpu.memory_space<hbm>>
        tpu.enqueue_dma source(%dma_start3A_584 : memref<128x100xf32, #tpu.memory_space<hbm>>) target(%dma_start3A_581 : memref<128x100xf32, #tpu.memory_space<vmem>>) target_semaphore(%arg13 : memref<!tpu.dma_semaphore, #tpu.memory_space<semaphore_mem>>)
      } else {
      }
      %add3A_381 = arith.constant 2 : i32
      %add3A_382 = arith.addi %mul3A_252, %add3A_381 : i32
      %mul3A_383 = arith.constant 256 : i32
      %mul3A_384 = arith.muli %add3A_382, %mul3A_383 : i32
      %add3A_385 = arith.addi %mul3A_32, %mul3A_384 : i32
      %dma_wait3A_386 = arith.constant 2 : i32
      %dma_wait3A_387 = arith.constant 0 : i32
      %dma_wait3A_388 = arith.constant 0 : i32
      %dma_wait3A_389 = tpu.memref_slice %arg4[%dma_wait3A_386, %dma_wait3A_387, %dma_wait3A_388] : memref<4x256x100xf32, #tpu.memory_space<vmem>> -> memref<1x128x100xf32, #tpu.memory_space<vmem>>
      %dma_wait3A_390 = tpu.memref_squeeze %dma_wait3A_389 : memref<1x128x100xf32, #tpu.memory_space<vmem>> -> memref<128x100xf32, #tpu.memory_space<vmem>>
      %dma_wait3A_391 = arith.constant 0 : i32
      %dma_wait3A_392 = tpu.memref_slice %arg2[%select_n3A, %add3A_385, %dma_wait3A_391] : memref<16x8192x100xf32, #tpu.memory_space<hbm>> -> memref<1x128x100xf32, #tpu.memory_space<hbm>>
      %dma_wait3A_393 = tpu.memref_squeeze %dma_wait3A_392 : memref<1x128x100xf32, #tpu.memory_space<hbm>> -> memref<128x100xf32, #tpu.memory_space<hbm>>
      %dma_wait3A_394 = arith.constant 0 : i32
      %dma_wait3A_395 = arith.constant 0 : i32
      %dma_wait3A_396 = tpu.memref_slice %arg4[%dma_wait3A_386, %dma_wait3A_394, %dma_wait3A_395] : memref<4x256x100xf32, #tpu.memory_space<vmem>> -> memref<1x128x100xf32, #tpu.memory_space<vmem>>
      %dma_wait3A_397 = tpu.memref_squeeze %dma_wait3A_396 : memref<1x128x100xf32, #tpu.memory_space<vmem>> -> memref<128x100xf32, #tpu.memory_space<vmem>>
      %dma_wait3A_398 = arith.constant 0 : i32
      %dma_wait3A_399 = tpu.memref_slice %arg2[%select_n3A, %add3A_385, %dma_wait3A_398] : memref<16x8192x100xf32, #tpu.memory_space<hbm>> -> memref<1x128x100xf32, #tpu.memory_space<hbm>>
      %dma_wait3A_400 = tpu.memref_squeeze %dma_wait3A_399 : memref<1x128x100xf32, #tpu.memory_space<hbm>> -> memref<128x100xf32, #tpu.memory_space<hbm>>
      tpu.wait_dma2 semaphore(%arg7 : memref<!tpu.dma_semaphore, #tpu.memory_space<semaphore_mem>>) src(%dma_wait3A_400 : memref<128x100xf32, #tpu.memory_space<hbm>>) dst(%dma_wait3A_397 : memref<128x100xf32, #tpu.memory_space<vmem>>)
      %mul3A_401 = arith.constant 256 : i32
      %mul3A_402 = arith.muli %add3A_382, %mul3A_401 : i32
      %add3A_403 = arith.addi %mul3A_32, %mul3A_402 : i32
      %add3A_404 = arith.constant 128 : i32
      %add3A_405 = arith.addi %add3A_403, %add3A_404 : i32
      %dma_wait3A_406 = arith.constant 2 : i32
      %dma_wait3A_407 = arith.constant 128 : i32
      %dma_wait3A_408 = arith.constant 0 : i32
      %dma_wait3A_409 = tpu.memref_slice %arg4[%dma_wait3A_406, %dma_wait3A_407, %dma_wait3A_408] : memref<4x256x100xf32, #tpu.memory_space<vmem>> -> memref<1x128x100xf32, #tpu.memory_space<vmem>>
      %dma_wait3A_410 = tpu.memref_squeeze %dma_wait3A_409 : memref<1x128x100xf32, #tpu.memory_space<vmem>> -> memref<128x100xf32, #tpu.memory_space<vmem>>
      %dma_wait3A_411 = arith.constant 0 : i32
      %dma_wait3A_412 = tpu.memref_slice %arg2[%select_n3A, %add3A_405, %dma_wait3A_411] : memref<16x8192x100xf32, #tpu.memory_space<hbm>> -> memref<1x128x100xf32, #tpu.memory_space<hbm>>
      %dma_wait3A_413 = tpu.memref_squeeze %dma_wait3A_412 : memref<1x128x100xf32, #tpu.memory_space<hbm>> -> memref<128x100xf32, #tpu.memory_space<hbm>>
      %dma_wait3A_414 = arith.constant 128 : i32
      %dma_wait3A_415 = arith.constant 0 : i32
      %dma_wait3A_416 = tpu.memref_slice %arg4[%dma_wait3A_406, %dma_wait3A_414, %dma_wait3A_415] : memref<4x256x100xf32, #tpu.memory_space<vmem>> -> memref<1x128x100xf32, #tpu.memory_space<vmem>>
      %dma_wait3A_417 = tpu.memref_squeeze %dma_wait3A_416 : memref<1x128x100xf32, #tpu.memory_space<vmem>> -> memref<128x100xf32, #tpu.memory_space<vmem>>
      %dma_wait3A_418 = arith.constant 0 : i32
      %dma_wait3A_419 = tpu.memref_slice %arg2[%select_n3A, %add3A_405, %dma_wait3A_418] : memref<16x8192x100xf32, #tpu.memory_space<hbm>> -> memref<1x128x100xf32, #tpu.memory_space<hbm>>
      %dma_wait3A_420 = tpu.memref_squeeze %dma_wait3A_419 : memref<1x128x100xf32, #tpu.memory_space<hbm>> -> memref<128x100xf32, #tpu.memory_space<hbm>>
      tpu.wait_dma2 semaphore(%arg15 : memref<!tpu.dma_semaphore, #tpu.memory_space<semaphore_mem>>) src(%dma_wait3A_420 : memref<128x100xf32, #tpu.memory_space<hbm>>) dst(%dma_wait3A_417 : memref<128x100xf32, #tpu.memory_space<vmem>>)
      %parallel_loop3A_421 = arith.constant 0 : i32
      %parallel_loop3A_422 = arith.constant 16 : i32
      %parallel_loop3A_423 = arith.constant 1 : i32
      scf.for %parallel_loop3A_523 = %parallel_loop3A_421 to %parallel_loop3A_422 step %parallel_loop3A_423  : i32 {
        %parallel_loop3A_524 = arith.constant 16 : i32
        %parallel_loop3A_525 = arith.muli %parallel_loop3A_523, %parallel_loop3A_524 : i32
        %parallel_loop3A_526 = vector.broadcast %parallel_loop3A_525 : i32 to vector<16xi32>
        %parallel_loop3A_527 = arith.addi %parallel_loop3A_526, %iota3A : vector<16xi32>
        %parallel_loop3A_528 = arith.constant 0 : i32
        %parallel_loop3A_529 = vector.broadcast %parallel_loop3A_528 : i32 to vector<16xi32>
        %parallel_loop3A_530 = arith.constant 2 : i32
        %parallel_loop3A_531 = arith.constant 0 : i32
        %parallel_loop3A_532 = arith.constant 0 : i32
        %parallel_loop3A_533 = tpu.memref_slice %arg4[%parallel_loop3A_530, %parallel_loop3A_531, %parallel_loop3A_532] : memref<4x256x100xf32, #tpu.memory_space<vmem>> -> memref<1x256x100xf32, #tpu.memory_space<vmem>>
        %parallel_loop3A_534 = tpu.memref_squeeze %parallel_loop3A_533 : memref<1x256x100xf32, #tpu.memory_space<vmem>> -> memref<256x100xf32, #tpu.memory_space<vmem>>
        %parallel_loop3A_535 = tpu.vector_load_idx %parallel_loop3A_534[%parallel_loop3A_527, %parallel_loop3A_529] : memref<256x100xf32, #tpu.memory_space<vmem>>[vector<16xi32>, vector<16xi32>], vector<16xf32>,
        %parallel_loop3A_536 = arith.constant 5.000000e-01 : f32
        %parallel_loop3A_537 = vector.broadcast %parallel_loop3A_536 : f32 to vector<16xf32>
        %parallel_loop3A_538 = arith.cmpf oge, %parallel_loop3A_535, %parallel_loop3A_537 : vector<16xf32>
        %parallel_loop3A_539 = arith.constant 1 : i32
        %parallel_loop3A_540 = vector.broadcast %parallel_loop3A_539 : i32 to vector<16xi32>
        %parallel_loop3A_541 = arith.constant 2 : i32
        %parallel_loop3A_542 = arith.constant 0 : i32
        %parallel_loop3A_543 = arith.constant 0 : i32
        %parallel_loop3A_544 = tpu.memref_slice %arg4[%parallel_loop3A_541, %parallel_loop3A_542, %parallel_loop3A_543] : memref<4x256x100xf32, #tpu.memory_space<vmem>> -> memref<1x256x100xf32, #tpu.memory_space<vmem>>
        %parallel_loop3A_545 = tpu.memref_squeeze %parallel_loop3A_544 : memref<1x256x100xf32, #tpu.memory_space<vmem>> -> memref<256x100xf32, #tpu.memory_space<vmem>>
        %parallel_loop3A_546 = tpu.vector_load_idx %parallel_loop3A_545[%parallel_loop3A_527, %parallel_loop3A_540] : memref<256x100xf32, #tpu.memory_space<vmem>>[vector<16xi32>, vector<16xi32>], vector<16xf32>,
        %parallel_loop3A_547 = arith.constant 5.000000e-01 : f32
        %parallel_loop3A_548 = vector.broadcast %parallel_loop3A_547 : f32 to vector<16xf32>
        %parallel_loop3A_549 = arith.cmpf ogt, %parallel_loop3A_546, %parallel_loop3A_548 : vector<16xf32>
        %parallel_loop3A_550 = arith.constant 2 : i32
        %parallel_loop3A_551 = vector.broadcast %parallel_loop3A_550 : i32 to vector<16xi32>
        %parallel_loop3A_552 = arith.constant 2 : i32
        %parallel_loop3A_553 = arith.constant 0 : i32
        %parallel_loop3A_554 = arith.constant 0 : i32
        %parallel_loop3A_555 = tpu.memref_slice %arg4[%parallel_loop3A_552, %parallel_loop3A_553, %parallel_loop3A_554] : memref<4x256x100xf32, #tpu.memory_space<vmem>> -> memref<1x256x100xf32, #tpu.memory_space<vmem>>
        %parallel_loop3A_556 = tpu.memref_squeeze %parallel_loop3A_555 : memref<1x256x100xf32, #tpu.memory_space<vmem>> -> memref<256x100xf32, #tpu.memory_space<vmem>>
        %parallel_loop3A_557 = tpu.vector_load_idx %parallel_loop3A_556[%parallel_loop3A_527, %parallel_loop3A_551] : memref<256x100xf32, #tpu.memory_space<vmem>>[vector<16xi32>, vector<16xi32>], vector<16xf32>,
        %parallel_loop3A_558 = arith.constant 5.000000e-01 : f32
        %parallel_loop3A_559 = vector.broadcast %parallel_loop3A_558 : f32 to vector<16xf32>
        %parallel_loop3A_560 = arith.cmpf ogt, %parallel_loop3A_557, %parallel_loop3A_559 : vector<16xf32>
        %parallel_loop3A_561 = arith.constant 3 : i32
        %parallel_loop3A_562 = vector.broadcast %parallel_loop3A_561 : i32 to vector<16xi32>
        %parallel_loop3A_563 = arith.constant 2 : i32
        %parallel_loop3A_564 = arith.constant 0 : i32
        %parallel_loop3A_565 = arith.constant 0 : i32
        %parallel_loop3A_566 = tpu.memref_slice %arg4[%parallel_loop3A_563, %parallel_loop3A_564, %parallel_loop3A_565] : memref<4x256x100xf32, #tpu.memory_space<vmem>> -> memref<1x256x100xf32, #tpu.memory_space<vmem>>
        %parallel_loop3A_567 = tpu.memref_squeeze %parallel_loop3A_566 : memref<1x256x100xf32, #tpu.memory_space<vmem>> -> memref<256x100xf32, #tpu.memory_space<vmem>>
        %parallel_loop3A_568 = tpu.vector_load_idx %parallel_loop3A_567[%parallel_loop3A_527, %parallel_loop3A_562] : memref<256x100xf32, #tpu.memory_space<vmem>>[vector<16xi32>, vector<16xi32>], vector<16xf32>,
        %parallel_loop3A_569 = arith.constant 5.000000e-01 : f32
        %parallel_loop3A_570 = vector.broadcast %parallel_loop3A_569 : f32 to vector<16xf32>
        %parallel_loop3A_571 = arith.cmpf ogt, %parallel_loop3A_568, %parallel_loop3A_570 : vector<16xf32>
        %parallel_loop3A_572 = arith.ori %parallel_loop3A_549, %parallel_loop3A_560 : vector<16xi1>
        %parallel_loop3A_573 = arith.ori %parallel_loop3A_572, %parallel_loop3A_571 : vector<16xi1>
        %parallel_loop3A_574 = arith.andi %parallel_loop3A_538, %parallel_loop3A_573 : vector<16xi1>
        %parallel_loop3A_575 = arith.constant 0 : i32
        %parallel_loop3A_576 = vector.broadcast %parallel_loop3A_575 : i32 to vector<16xi32>
        %parallel_loop3A_577 = arith.constant 2 : i32
        %parallel_loop3A_578 = arith.constant 0 : i32
        %parallel_loop3A_579 = arith.constant 16 : i32
        %parallel_loop3A_580 = arith.addi %parallel_loop3A_578, %parallel_loop3A_579 : i32
        %parallel_loop3A_581 = arith.constant 1 : i32
        %parallel_loop3A_582:4 = scf.for %scan3A_624 = %parallel_loop3A_578 to %parallel_loop3A_580 step %parallel_loop3A_581 iter_args(%scan3A_625 = %parallel_loop3A_576, %scan3A_626 = %parallel_loop3A_576, %scan3A_627 = %parallel_loop3A_576, %scan3A_628 = %parallel_loop3A_576) -> (vector<16xi32>, vector<16xi32>, vector<16xi32>, vector<16xi32>)  : i32 {
          %parallel_loop3A_629 = arith.constant 16 : i32
          %parallel_loop3A_630 = arith.muli %parallel_loop3A_523, %parallel_loop3A_629 : i32
          %parallel_loop3A_631 = arith.addi %parallel_loop3A_630, %scan3A_624 : i32
          %parallel_loop3A_632 = vector.broadcast %scan3A_624 : i32 to vector<16xi32>
          %parallel_loop3A_633 = arith.cmpi eq, %iota3A, %parallel_loop3A_632 : vector<16xi32>
          %parallel_loop3A_634 = arith.constant 0 : i32
          %parallel_loop3A_635 = arith.constant 0 : i32
          %parallel_loop3A_636 = tpu.memref_slice %arg4[%parallel_loop3A_577, %parallel_loop3A_634, %parallel_loop3A_635] : memref<4x256x100xf32, #tpu.memory_space<vmem>> -> memref<1x256x100xf32, #tpu.memory_space<vmem>>
          %parallel_loop3A_637 = tpu.memref_squeeze %parallel_loop3A_636 : memref<1x256x100xf32, #tpu.memory_space<vmem>> -> memref<256x100xf32, #tpu.memory_space<vmem>>
          %parallel_loop3A_638 = arith.index_cast %parallel_loop3A_631 : i32 to index
          %parallel_loop3A_639 = arith.constant 4 : index
          %parallel_loop3A_640 = tpu.vector_load %parallel_loop3A_637[%parallel_loop3A_638, %parallel_loop3A_639] {strides = array<i32>} : memref<256x100xf32, #tpu.memory_space<vmem>>, vector<16xf32>,
          %parallel_loop3A_641 = arith.constant 5.000000e-01 : f32
          %parallel_loop3A_642 = vector.broadcast %parallel_loop3A_641 : f32 to vector<16xf32>
          %parallel_loop3A_643 = arith.cmpf ogt, %parallel_loop3A_640, %parallel_loop3A_642 : vector<16xf32>
          %parallel_loop3A_644 = tpu.all_reduce %parallel_loop3A_643 {dim = 0 : i64, kind = #tpu.reduction_kind<find_first_set>} : vector<16xi1> -> vector<16xi32>
          %parallel_loop3A_645 = arith.select %parallel_loop3A_633, %parallel_loop3A_644, %scan3A_625 : vector<16xi1>, vector<16xi32>
          %parallel_loop3A_646 = arith.constant 0 : i32
          %parallel_loop3A_647 = arith.constant 0 : i32
          %parallel_loop3A_648 = tpu.memref_slice %arg4[%parallel_loop3A_577, %parallel_loop3A_646, %parallel_loop3A_647] : memref<4x256x100xf32, #tpu.memory_space<vmem>> -> memref<1x256x100xf32, #tpu.memory_space<vmem>>
          %parallel_loop3A_649 = tpu.memref_squeeze %parallel_loop3A_648 : memref<1x256x100xf32, #tpu.memory_space<vmem>> -> memref<256x100xf32, #tpu.memory_space<vmem>>
          %parallel_loop3A_650 = arith.index_cast %parallel_loop3A_631 : i32 to index
          %parallel_loop3A_651 = arith.constant 20 : index
          %parallel_loop3A_652 = tpu.vector_load %parallel_loop3A_649[%parallel_loop3A_650, %parallel_loop3A_651] {strides = array<i32>} : memref<256x100xf32, #tpu.memory_space<vmem>>, vector<16xf32>,
          %parallel_loop3A_653 = arith.constant 5.000000e-01 : f32
          %parallel_loop3A_654 = vector.broadcast %parallel_loop3A_653 : f32 to vector<16xf32>
          %parallel_loop3A_655 = arith.cmpf ogt, %parallel_loop3A_652, %parallel_loop3A_654 : vector<16xf32>
          %parallel_loop3A_656 = tpu.all_reduce %parallel_loop3A_655 {dim = 0 : i64, kind = #tpu.reduction_kind<find_first_set>} : vector<16xi1> -> vector<16xi32>
          %parallel_loop3A_657 = arith.select %parallel_loop3A_633, %parallel_loop3A_656, %scan3A_626 : vector<16xi1>, vector<16xi32>
          %parallel_loop3A_658 = arith.constant 0 : i32
          %parallel_loop3A_659 = arith.constant 0 : i32
          %parallel_loop3A_660 = tpu.memref_slice %arg4[%parallel_loop3A_577, %parallel_loop3A_658, %parallel_loop3A_659] : memref<4x256x100xf32, #tpu.memory_space<vmem>> -> memref<1x256x100xf32, #tpu.memory_space<vmem>>
          %parallel_loop3A_661 = tpu.memref_squeeze %parallel_loop3A_660 : memref<1x256x100xf32, #tpu.memory_space<vmem>> -> memref<256x100xf32, #tpu.memory_space<vmem>>
          %parallel_loop3A_662 = arith.index_cast %parallel_loop3A_631 : i32 to index
          %parallel_loop3A_663 = arith.constant 36 : index
          %parallel_loop3A_664 = tpu.vector_load %parallel_loop3A_661[%parallel_loop3A_662, %parallel_loop3A_663] {strides = array<i32>} : memref<256x100xf32, #tpu.memory_space<vmem>>, vector<16xf32>,
          %parallel_loop3A_665 = arith.constant 5.000000e-01 : f32
          %parallel_loop3A_666 = vector.broadcast %parallel_loop3A_665 : f32 to vector<16xf32>
          %parallel_loop3A_667 = arith.cmpf ogt, %parallel_loop3A_664, %parallel_loop3A_666 : vector<16xf32>
          %parallel_loop3A_668 = tpu.all_reduce %parallel_loop3A_667 {dim = 0 : i64, kind = #tpu.reduction_kind<find_first_set>} : vector<16xi1> -> vector<16xi32>
          %parallel_loop3A_669 = arith.select %parallel_loop3A_633, %parallel_loop3A_668, %scan3A_627 : vector<16xi1>, vector<16xi32>
          %parallel_loop3A_670 = arith.constant 0 : i32
          %parallel_loop3A_671 = arith.constant 0 : i32
          %parallel_loop3A_672 = tpu.memref_slice %arg4[%parallel_loop3A_577, %parallel_loop3A_670, %parallel_loop3A_671] : memref<4x256x100xf32, #tpu.memory_space<vmem>> -> memref<1x256x100xf32, #tpu.memory_space<vmem>>
          %parallel_loop3A_673 = tpu.memref_squeeze %parallel_loop3A_672 : memref<1x256x100xf32, #tpu.memory_space<vmem>> -> memref<256x100xf32, #tpu.memory_space<vmem>>
          %parallel_loop3A_674 = arith.index_cast %parallel_loop3A_631 : i32 to index
          %parallel_loop3A_675 = arith.constant 52 : index
          %parallel_loop3A_676 = tpu.vector_load %parallel_loop3A_673[%parallel_loop3A_674, %parallel_loop3A_675] {strides = array<i32>} : memref<256x100xf32, #tpu.memory_space<vmem>>, vector<16xf32>,
          %parallel_loop3A_677 = arith.constant 5.000000e-01 : f32
          %parallel_loop3A_678 = vector.broadcast %parallel_loop3A_677 : f32 to vector<16xf32>
          %parallel_loop3A_679 = arith.cmpf ogt, %parallel_loop3A_676, %parallel_loop3A_678 : vector<16xf32>
          %parallel_loop3A_680 = tpu.all_reduce %parallel_loop3A_679 {dim = 0 : i64, kind = #tpu.reduction_kind<find_first_set>} : vector<16xi1> -> vector<16xi32>
          %parallel_loop3A_681 = arith.select %parallel_loop3A_633, %parallel_loop3A_680, %scan3A_628 : vector<16xi1>, vector<16xi32>
          scf.yield %parallel_loop3A_645, %parallel_loop3A_657, %parallel_loop3A_669, %parallel_loop3A_681 : vector<16xi32>, vector<16xi32>, vector<16xi32>, vector<16xi32>
        }
        %parallel_loop3A_583 = arith.constant 16 : i32
        %parallel_loop3A_584 = arith.constant 15 : i32
        %parallel_loop3A_585 = vector.broadcast %parallel_loop3A_584 : i32 to vector<16xi32>
        %parallel_loop3A_586 = arith.andi %parallel_loop3A_582#0, %parallel_loop3A_585 : vector<16xi32>
        %parallel_loop3A_587 = arith.constant 15 : i32
        %parallel_loop3A_588 = vector.broadcast %parallel_loop3A_587 : i32 to vector<16xi32>
        %parallel_loop3A_589 = arith.andi %parallel_loop3A_582#1, %parallel_loop3A_588 : vector<16xi32>
        %parallel_loop3A_590 = arith.constant 15 : i32
        %parallel_loop3A_591 = vector.broadcast %parallel_loop3A_590 : i32 to vector<16xi32>
        %parallel_loop3A_592 = arith.andi %parallel_loop3A_582#2, %parallel_loop3A_591 : vector<16xi32>
        %parallel_loop3A_593 = arith.constant 15 : i32
        %parallel_loop3A_594 = vector.broadcast %parallel_loop3A_593 : i32 to vector<16xi32>
        %parallel_loop3A_595 = arith.andi %parallel_loop3A_582#3, %parallel_loop3A_594 : vector<16xi32>
        %parallel_loop3A_596 = arith.andi %parallel_loop3A_586, %parallel_loop3A_592 : vector<16xi32>
        %parallel_loop3A_597 = arith.ori %parallel_loop3A_586, %parallel_loop3A_592 : vector<16xi32>
        %parallel_loop3A_598 = arith.xori %parallel_loop3A_586, %parallel_loop3A_592 : vector<16xi32>
        %parallel_loop3A_599 = arith.select %parallel_loop3A_560, %parallel_loop3A_597, %parallel_loop3A_598 : vector<16xi1>, vector<16xi32>
        %parallel_loop3A_600 = arith.select %parallel_loop3A_549, %parallel_loop3A_596, %parallel_loop3A_599 : vector<16xi1>, vector<16xi32>
        %parallel_loop3A_601 = arith.andi %parallel_loop3A_589, %parallel_loop3A_595 : vector<16xi32>
        %parallel_loop3A_602 = arith.ori %parallel_loop3A_589, %parallel_loop3A_595 : vector<16xi32>
        %parallel_loop3A_603 = arith.xori %parallel_loop3A_589, %parallel_loop3A_595 : vector<16xi32>
        %parallel_loop3A_604 = arith.select %parallel_loop3A_560, %parallel_loop3A_602, %parallel_loop3A_603 : vector<16xi1>, vector<16xi32>
        %parallel_loop3A_605 = arith.select %parallel_loop3A_549, %parallel_loop3A_601, %parallel_loop3A_604 : vector<16xi1>, vector<16xi32>
        %parallel_loop3A_606 = arith.constant 2.000000e+00 : f32
        %parallel_loop3A_607 = vector.broadcast %parallel_loop3A_606 : f32 to vector<16xf32>
        %parallel_loop3A_608 = arith.constant 68 : i32
        %parallel_loop3A_609 = vector.broadcast %parallel_loop3A_608 : i32 to vector<16xi32>
        %parallel_loop3A_610 = arith.addi %parallel_loop3A_609, %parallel_loop3A_600 : vector<16xi32>
        %parallel_loop3A_611 = arith.constant 2 : i32
        %parallel_loop3A_612 = arith.constant 0 : i32
        %parallel_loop3A_613 = arith.constant 0 : i32
        %parallel_loop3A_614 = tpu.memref_slice %arg4[%parallel_loop3A_611, %parallel_loop3A_612, %parallel_loop3A_613] : memref<4x256x100xf32, #tpu.memory_space<vmem>> -> memref<1x256x100xf32, #tpu.memory_space<vmem>>
        %parallel_loop3A_615 = tpu.memref_squeeze %parallel_loop3A_614 : memref<1x256x100xf32, #tpu.memory_space<vmem>> -> memref<256x100xf32, #tpu.memory_space<vmem>>
        tpu.vector_store_idx %parallel_loop3A_615[%parallel_loop3A_527, %parallel_loop3A_610], %parallel_loop3A_607 masked %parallel_loop3A_574 {add = true} : memref<256x100xf32, #tpu.memory_space<vmem>>[vector<16xi32>, vector<16xi32>], vector<16xf32>, vector<16xi1>
        %parallel_loop3A_616 = arith.constant 84 : i32
        %parallel_loop3A_617 = vector.broadcast %parallel_loop3A_616 : i32 to vector<16xi32>
        %parallel_loop3A_618 = arith.addi %parallel_loop3A_617, %parallel_loop3A_605 : vector<16xi32>
        %parallel_loop3A_619 = arith.constant 2 : i32
        %parallel_loop3A_620 = arith.constant 0 : i32
        %parallel_loop3A_621 = arith.constant 0 : i32
        %parallel_loop3A_622 = tpu.memref_slice %arg4[%parallel_loop3A_619, %parallel_loop3A_620, %parallel_loop3A_621] : memref<4x256x100xf32, #tpu.memory_space<vmem>> -> memref<1x256x100xf32, #tpu.memory_space<vmem>>
        %parallel_loop3A_623 = tpu.memref_squeeze %parallel_loop3A_622 : memref<1x256x100xf32, #tpu.memory_space<vmem>> -> memref<256x100xf32, #tpu.memory_space<vmem>>
        tpu.vector_store_idx %parallel_loop3A_623[%parallel_loop3A_527, %parallel_loop3A_618], %parallel_loop3A_607 masked %parallel_loop3A_574 {add = true} : memref<256x100xf32, #tpu.memory_space<vmem>>[vector<16xi32>, vector<16xi32>], vector<16xf32>, vector<16xi1>
      } {sc.loop_unroll_factor = 1 : i64, sc.parallel_access}
      %add3A_424 = arith.constant 2 : i32
      %add3A_425 = arith.addi %mul3A_252, %add3A_424 : i32
      %mul3A_426 = arith.constant 256 : i32
      %mul3A_427 = arith.muli %add3A_425, %mul3A_426 : i32
      %add3A_428 = arith.addi %mul3A_32, %mul3A_427 : i32
      %dma_start3A_429 = arith.constant 2 : i32
      %dma_start3A_430 = arith.constant 0 : i32
      %dma_start3A_431 = arith.constant 0 : i32
      %dma_start3A_432 = tpu.memref_slice %arg4[%dma_start3A_429, %dma_start3A_430, %dma_start3A_431] : memref<4x256x100xf32, #tpu.memory_space<vmem>> -> memref<1x256x100xf32, #tpu.memory_space<vmem>>
      %dma_start3A_433 = tpu.memref_squeeze %dma_start3A_432 : memref<1x256x100xf32, #tpu.memory_space<vmem>> -> memref<256x100xf32, #tpu.memory_space<vmem>>
      %dma_start3A_434 = arith.constant 0 : i32
      %dma_start3A_435 = tpu.memref_slice %arg3[%select_n3A, %add3A_428, %dma_start3A_434] : memref<16x8192x100xf32, #tpu.memory_space<hbm>> -> memref<1x256x100xf32, #tpu.memory_space<hbm>>
      %dma_start3A_436 = tpu.memref_squeeze %dma_start3A_435 : memref<1x256x100xf32, #tpu.memory_space<hbm>> -> memref<256x100xf32, #tpu.memory_space<hbm>>
      %dma_start3A_437 = arith.constant 0 : i32
      %dma_start3A_438 = tpu.memref_slice %arg3[%select_n3A, %add3A_428, %dma_start3A_437] : memref<16x8192x100xf32, #tpu.memory_space<hbm>> -> memref<1x256x100xf32, #tpu.memory_space<hbm>>
      %dma_start3A_439 = tpu.memref_squeeze %dma_start3A_438 : memref<1x256x100xf32, #tpu.memory_space<hbm>> -> memref<256x100xf32, #tpu.memory_space<hbm>>
      %dma_start3A_440 = arith.constant 0 : i32
      %dma_start3A_441 = arith.constant 0 : i32
      %dma_start3A_442 = tpu.memref_slice %arg4[%dma_start3A_429, %dma_start3A_440, %dma_start3A_441] : memref<4x256x100xf32, #tpu.memory_space<vmem>> -> memref<1x256x100xf32, #tpu.memory_space<vmem>>
      %dma_start3A_443 = tpu.memref_squeeze %dma_start3A_442 : memref<1x256x100xf32, #tpu.memory_space<vmem>> -> memref<256x100xf32, #tpu.memory_space<vmem>>
      tpu.enqueue_dma source(%dma_start3A_443 : memref<256x100xf32, #tpu.memory_space<vmem>>) target(%dma_start3A_439 : memref<256x100xf32, #tpu.memory_space<hbm>>) target_semaphore(%arg11 : memref<!tpu.dma_semaphore, #tpu.memory_space<semaphore_mem>>)
      %lt3A_444 = arith.constant 3 : i32
      %lt3A_445 = arith.cmpi slt, %scan3A_249, %lt3A_444 : i32
      %convert_element_type3A_446 = arith.extui %lt3A_445 : i1 to i32
      %cond3A_447 = arith.constant 0 : i32
      %cond3A_448 = arith.cmpi ne, %convert_element_type3A_446, %cond3A_447 : i32
      scf.if %cond3A_448 {
        %add3A_523 = arith.constant 1 : i32
        %add3A_524 = arith.addi %mul3A_252, %add3A_523 : i32
        %mul3A_525 = arith.constant 256 : i32
        %mul3A_526 = arith.muli %add3A_524, %mul3A_525 : i32
        %add3A_527 = arith.addi %mul3A_32, %mul3A_526 : i32
        %dma_wait3A_528 = arith.constant 1 : i32
        %dma_wait3A_529 = arith.constant 0 : i32
        %dma_wait3A_530 = arith.constant 0 : i32
        %dma_wait3A_531 = tpu.memref_slice %arg4[%dma_wait3A_528, %dma_wait3A_529, %dma_wait3A_530] : memref<4x256x100xf32, #tpu.memory_space<vmem>> -> memref<1x256x100xf32, #tpu.memory_space<vmem>>
        %dma_wait3A_532 = tpu.memref_squeeze %dma_wait3A_531 : memref<1x256x100xf32, #tpu.memory_space<vmem>> -> memref<256x100xf32, #tpu.memory_space<vmem>>
        %dma_wait3A_533 = arith.constant 0 : i32
        %dma_wait3A_534 = tpu.memref_slice %arg3[%select_n3A, %add3A_527, %dma_wait3A_533] : memref<16x8192x100xf32, #tpu.memory_space<hbm>> -> memref<1x256x100xf32, #tpu.memory_space<hbm>>
        %dma_wait3A_535 = tpu.memref_squeeze %dma_wait3A_534 : memref<1x256x100xf32, #tpu.memory_space<hbm>> -> memref<256x100xf32, #tpu.memory_space<hbm>>
        %dma_wait3A_536 = arith.constant 0 : i32
        %dma_wait3A_537 = tpu.memref_slice %arg3[%select_n3A, %add3A_527, %dma_wait3A_536] : memref<16x8192x100xf32, #tpu.memory_space<hbm>> -> memref<1x256x100xf32, #tpu.memory_space<hbm>>
        %dma_wait3A_538 = tpu.memref_squeeze %dma_wait3A_537 : memref<1x256x100xf32, #tpu.memory_space<hbm>> -> memref<256x100xf32, #tpu.memory_space<hbm>>
        %dma_wait3A_539 = arith.constant 0 : i32
        %dma_wait3A_540 = arith.constant 0 : i32
        %dma_wait3A_541 = tpu.memref_slice %arg4[%dma_wait3A_528, %dma_wait3A_539, %dma_wait3A_540] : memref<4x256x100xf32, #tpu.memory_space<vmem>> -> memref<1x256x100xf32, #tpu.memory_space<vmem>>
        %dma_wait3A_542 = tpu.memref_squeeze %dma_wait3A_541 : memref<1x256x100xf32, #tpu.memory_space<vmem>> -> memref<256x100xf32, #tpu.memory_space<vmem>>
        tpu.wait_dma2 semaphore(%arg10 : memref<!tpu.dma_semaphore, #tpu.memory_space<semaphore_mem>>) src(%dma_wait3A_542 : memref<256x100xf32, #tpu.memory_space<vmem>>) dst(%dma_wait3A_538 : memref<256x100xf32, #tpu.memory_space<hbm>>)
        %add3A_543 = arith.constant 1 : i32
        %add3A_544 = arith.addi %mul3A_252, %add3A_543 : i32
        %add3A_545 = arith.constant 4 : i32
        %add3A_546 = arith.addi %add3A_544, %add3A_545 : i32
        %mul3A_547 = arith.constant 256 : i32
        %mul3A_548 = arith.muli %add3A_546, %mul3A_547 : i32
        %add3A_549 = arith.addi %mul3A_32, %mul3A_548 : i32
        %dma_start3A_550 = arith.constant 1 : i32
        %dma_start3A_551 = arith.constant 0 : i32
        %dma_start3A_552 = arith.constant 0 : i32
        %dma_start3A_553 = tpu.memref_slice %arg4[%dma_start3A_550, %dma_start3A_551, %dma_start3A_552] : memref<4x256x100xf32, #tpu.memory_space<vmem>> -> memref<1x128x100xf32, #tpu.memory_space<vmem>>
        %dma_start3A_554 = tpu.memref_squeeze %dma_start3A_553 : memref<1x128x100xf32, #tpu.memory_space<vmem>> -> memref<128x100xf32, #tpu.memory_space<vmem>>
        %dma_start3A_555 = arith.constant 0 : i32
        %dma_start3A_556 = tpu.memref_slice %arg2[%select_n3A, %add3A_549, %dma_start3A_555] : memref<16x8192x100xf32, #tpu.memory_space<hbm>> -> memref<1x128x100xf32, #tpu.memory_space<hbm>>
        %dma_start3A_557 = tpu.memref_squeeze %dma_start3A_556 : memref<1x128x100xf32, #tpu.memory_space<hbm>> -> memref<128x100xf32, #tpu.memory_space<hbm>>
        %dma_start3A_558 = arith.constant 0 : i32
        %dma_start3A_559 = arith.constant 0 : i32
        %dma_start3A_560 = tpu.memref_slice %arg4[%dma_start3A_550, %dma_start3A_558, %dma_start3A_559] : memref<4x256x100xf32, #tpu.memory_space<vmem>> -> memref<1x128x100xf32, #tpu.memory_space<vmem>>
        %dma_start3A_561 = tpu.memref_squeeze %dma_start3A_560 : memref<1x128x100xf32, #tpu.memory_space<vmem>> -> memref<128x100xf32, #tpu.memory_space<vmem>>
        %dma_start3A_562 = arith.constant 0 : i32
        %dma_start3A_563 = tpu.memref_slice %arg2[%select_n3A, %add3A_549, %dma_start3A_562] : memref<16x8192x100xf32, #tpu.memory_space<hbm>> -> memref<1x128x100xf32, #tpu.memory_space<hbm>>
        %dma_start3A_564 = tpu.memref_squeeze %dma_start3A_563 : memref<1x128x100xf32, #tpu.memory_space<hbm>> -> memref<128x100xf32, #tpu.memory_space<hbm>>
        tpu.enqueue_dma source(%dma_start3A_564 : memref<128x100xf32, #tpu.memory_space<hbm>>) target(%dma_start3A_561 : memref<128x100xf32, #tpu.memory_space<vmem>>) target_semaphore(%arg6 : memref<!tpu.dma_semaphore, #tpu.memory_space<semaphore_mem>>)
        %mul3A_565 = arith.constant 256 : i32
        %mul3A_566 = arith.muli %add3A_546, %mul3A_565 : i32
        %add3A_567 = arith.addi %mul3A_32, %mul3A_566 : i32
        %add3A_568 = arith.constant 128 : i32
        %add3A_569 = arith.addi %add3A_567, %add3A_568 : i32
        %dma_start3A_570 = arith.constant 1 : i32
        %dma_start3A_571 = arith.constant 128 : i32
        %dma_start3A_572 = arith.constant 0 : i32
        %dma_start3A_573 = tpu.memref_slice %arg4[%dma_start3A_570, %dma_start3A_571, %dma_start3A_572] : memref<4x256x100xf32, #tpu.memory_space<vmem>> -> memref<1x128x100xf32, #tpu.memory_space<vmem>>
        %dma_start3A_574 = tpu.memref_squeeze %dma_start3A_573 : memref<1x128x100xf32, #tpu.memory_space<vmem>> -> memref<128x100xf32, #tpu.memory_space<vmem>>
        %dma_start3A_575 = arith.constant 0 : i32
        %dma_start3A_576 = tpu.memref_slice %arg2[%select_n3A, %add3A_569, %dma_start3A_575] : memref<16x8192x100xf32, #tpu.memory_space<hbm>> -> memref<1x128x100xf32, #tpu.memory_space<hbm>>
        %dma_start3A_577 = tpu.memref_squeeze %dma_start3A_576 : memref<1x128x100xf32, #tpu.memory_space<hbm>> -> memref<128x100xf32, #tpu.memory_space<hbm>>
        %dma_start3A_578 = arith.constant 128 : i32
        %dma_start3A_579 = arith.constant 0 : i32
        %dma_start3A_580 = tpu.memref_slice %arg4[%dma_start3A_570, %dma_start3A_578, %dma_start3A_579] : memref<4x256x100xf32, #tpu.memory_space<vmem>> -> memref<1x128x100xf32, #tpu.memory_space<vmem>>
        %dma_start3A_581 = tpu.memref_squeeze %dma_start3A_580 : memref<1x128x100xf32, #tpu.memory_space<vmem>> -> memref<128x100xf32, #tpu.memory_space<vmem>>
        %dma_start3A_582 = arith.constant 0 : i32
        %dma_start3A_583 = tpu.memref_slice %arg2[%select_n3A, %add3A_569, %dma_start3A_582] : memref<16x8192x100xf32, #tpu.memory_space<hbm>> -> memref<1x128x100xf32, #tpu.memory_space<hbm>>
        %dma_start3A_584 = tpu.memref_squeeze %dma_start3A_583 : memref<1x128x100xf32, #tpu.memory_space<hbm>> -> memref<128x100xf32, #tpu.memory_space<hbm>>
        tpu.enqueue_dma source(%dma_start3A_584 : memref<128x100xf32, #tpu.memory_space<hbm>>) target(%dma_start3A_581 : memref<128x100xf32, #tpu.memory_space<vmem>>) target_semaphore(%arg14 : memref<!tpu.dma_semaphore, #tpu.memory_space<semaphore_mem>>)
      } else {
      }
      %add3A_449 = arith.constant 3 : i32
      %add3A_450 = arith.addi %mul3A_252, %add3A_449 : i32
      %mul3A_451 = arith.constant 256 : i32
      %mul3A_452 = arith.muli %add3A_450, %mul3A_451 : i32
      %add3A_453 = arith.addi %mul3A_32, %mul3A_452 : i32
      %dma_wait3A_454 = arith.constant 3 : i32
      %dma_wait3A_455 = arith.constant 0 : i32
      %dma_wait3A_456 = arith.constant 0 : i32
      %dma_wait3A_457 = tpu.memref_slice %arg4[%dma_wait3A_454, %dma_wait3A_455, %dma_wait3A_456] : memref<4x256x100xf32, #tpu.memory_space<vmem>> -> memref<1x128x100xf32, #tpu.memory_space<vmem>>
      %dma_wait3A_458 = tpu.memref_squeeze %dma_wait3A_457 : memref<1x128x100xf32, #tpu.memory_space<vmem>> -> memref<128x100xf32, #tpu.memory_space<vmem>>
      %dma_wait3A_459 = arith.constant 0 : i32
      %dma_wait3A_460 = tpu.memref_slice %arg2[%select_n3A, %add3A_453, %dma_wait3A_459] : memref<16x8192x100xf32, #tpu.memory_space<hbm>> -> memref<1x128x100xf32, #tpu.memory_space<hbm>>
      %dma_wait3A_461 = tpu.memref_squeeze %dma_wait3A_460 : memref<1x128x100xf32, #tpu.memory_space<hbm>> -> memref<128x100xf32, #tpu.memory_space<hbm>>
      %dma_wait3A_462 = arith.constant 0 : i32
      %dma_wait3A_463 = arith.constant 0 : i32
      %dma_wait3A_464 = tpu.memref_slice %arg4[%dma_wait3A_454, %dma_wait3A_462, %dma_wait3A_463] : memref<4x256x100xf32, #tpu.memory_space<vmem>> -> memref<1x128x100xf32, #tpu.memory_space<vmem>>
      %dma_wait3A_465 = tpu.memref_squeeze %dma_wait3A_464 : memref<1x128x100xf32, #tpu.memory_space<vmem>> -> memref<128x100xf32, #tpu.memory_space<vmem>>
      %dma_wait3A_466 = arith.constant 0 : i32
      %dma_wait3A_467 = tpu.memref_slice %arg2[%select_n3A, %add3A_453, %dma_wait3A_466] : memref<16x8192x100xf32, #tpu.memory_space<hbm>> -> memref<1x128x100xf32, #tpu.memory_space<hbm>>
      %dma_wait3A_468 = tpu.memref_squeeze %dma_wait3A_467 : memref<1x128x100xf32, #tpu.memory_space<hbm>> -> memref<128x100xf32, #tpu.memory_space<hbm>>
      tpu.wait_dma2 semaphore(%arg8 : memref<!tpu.dma_semaphore, #tpu.memory_space<semaphore_mem>>) src(%dma_wait3A_468 : memref<128x100xf32, #tpu.memory_space<hbm>>) dst(%dma_wait3A_465 : memref<128x100xf32, #tpu.memory_space<vmem>>)
      %mul3A_469 = arith.constant 256 : i32
      %mul3A_470 = arith.muli %add3A_450, %mul3A_469 : i32
      %add3A_471 = arith.addi %mul3A_32, %mul3A_470 : i32
      %add3A_472 = arith.constant 128 : i32
      %add3A_473 = arith.addi %add3A_471, %add3A_472 : i32
      %dma_wait3A_474 = arith.constant 3 : i32
      %dma_wait3A_475 = arith.constant 128 : i32
      %dma_wait3A_476 = arith.constant 0 : i32
      %dma_wait3A_477 = tpu.memref_slice %arg4[%dma_wait3A_474, %dma_wait3A_475, %dma_wait3A_476] : memref<4x256x100xf32, #tpu.memory_space<vmem>> -> memref<1x128x100xf32, #tpu.memory_space<vmem>>
      %dma_wait3A_478 = tpu.memref_squeeze %dma_wait3A_477 : memref<1x128x100xf32, #tpu.memory_space<vmem>> -> memref<128x100xf32, #tpu.memory_space<vmem>>
      %dma_wait3A_479 = arith.constant 0 : i32
      %dma_wait3A_480 = tpu.memref_slice %arg2[%select_n3A, %add3A_473, %dma_wait3A_479] : memref<16x8192x100xf32, #tpu.memory_space<hbm>> -> memref<1x128x100xf32, #tpu.memory_space<hbm>>
      %dma_wait3A_481 = tpu.memref_squeeze %dma_wait3A_480 : memref<1x128x100xf32, #tpu.memory_space<hbm>> -> memref<128x100xf32, #tpu.memory_space<hbm>>
      %dma_wait3A_482 = arith.constant 128 : i32
      %dma_wait3A_483 = arith.constant 0 : i32
      %dma_wait3A_484 = tpu.memref_slice %arg4[%dma_wait3A_474, %dma_wait3A_482, %dma_wait3A_483] : memref<4x256x100xf32, #tpu.memory_space<vmem>> -> memref<1x128x100xf32, #tpu.memory_space<vmem>>
      %dma_wait3A_485 = tpu.memref_squeeze %dma_wait3A_484 : memref<1x128x100xf32, #tpu.memory_space<vmem>> -> memref<128x100xf32, #tpu.memory_space<vmem>>
      %dma_wait3A_486 = arith.constant 0 : i32
      %dma_wait3A_487 = tpu.memref_slice %arg2[%select_n3A, %add3A_473, %dma_wait3A_486] : memref<16x8192x100xf32, #tpu.memory_space<hbm>> -> memref<1x128x100xf32, #tpu.memory_space<hbm>>
      %dma_wait3A_488 = tpu.memref_squeeze %dma_wait3A_487 : memref<1x128x100xf32, #tpu.memory_space<hbm>> -> memref<128x100xf32, #tpu.memory_space<hbm>>
      tpu.wait_dma2 semaphore(%arg16 : memref<!tpu.dma_semaphore, #tpu.memory_space<semaphore_mem>>) src(%dma_wait3A_488 : memref<128x100xf32, #tpu.memory_space<hbm>>) dst(%dma_wait3A_485 : memref<128x100xf32, #tpu.memory_space<vmem>>)
      %parallel_loop3A_489 = arith.constant 0 : i32
      %parallel_loop3A_490 = arith.constant 16 : i32
      %parallel_loop3A_491 = arith.constant 1 : i32
      scf.for %parallel_loop3A_523 = %parallel_loop3A_489 to %parallel_loop3A_490 step %parallel_loop3A_491  : i32 {
        %parallel_loop3A_524 = arith.constant 16 : i32
        %parallel_loop3A_525 = arith.muli %parallel_loop3A_523, %parallel_loop3A_524 : i32
        %parallel_loop3A_526 = vector.broadcast %parallel_loop3A_525 : i32 to vector<16xi32>
        %parallel_loop3A_527 = arith.addi %parallel_loop3A_526, %iota3A : vector<16xi32>
        %parallel_loop3A_528 = arith.constant 0 : i32
        %parallel_loop3A_529 = vector.broadcast %parallel_loop3A_528 : i32 to vector<16xi32>
        %parallel_loop3A_530 = arith.constant 3 : i32
        %parallel_loop3A_531 = arith.constant 0 : i32
        %parallel_loop3A_532 = arith.constant 0 : i32
        %parallel_loop3A_533 = tpu.memref_slice %arg4[%parallel_loop3A_530, %parallel_loop3A_531, %parallel_loop3A_532] : memref<4x256x100xf32, #tpu.memory_space<vmem>> -> memref<1x256x100xf32, #tpu.memory_space<vmem>>
        %parallel_loop3A_534 = tpu.memref_squeeze %parallel_loop3A_533 : memref<1x256x100xf32, #tpu.memory_space<vmem>> -> memref<256x100xf32, #tpu.memory_space<vmem>>
        %parallel_loop3A_535 = tpu.vector_load_idx %parallel_loop3A_534[%parallel_loop3A_527, %parallel_loop3A_529] : memref<256x100xf32, #tpu.memory_space<vmem>>[vector<16xi32>, vector<16xi32>], vector<16xf32>,
        %parallel_loop3A_536 = arith.constant 5.000000e-01 : f32
        %parallel_loop3A_537 = vector.broadcast %parallel_loop3A_536 : f32 to vector<16xf32>
        %parallel_loop3A_538 = arith.cmpf oge, %parallel_loop3A_535, %parallel_loop3A_537 : vector<16xf32>
        %parallel_loop3A_539 = arith.constant 1 : i32
        %parallel_loop3A_540 = vector.broadcast %parallel_loop3A_539 : i32 to vector<16xi32>
        %parallel_loop3A_541 = arith.constant 3 : i32
        %parallel_loop3A_542 = arith.constant 0 : i32
        %parallel_loop3A_543 = arith.constant 0 : i32
        %parallel_loop3A_544 = tpu.memref_slice %arg4[%parallel_loop3A_541, %parallel_loop3A_542, %parallel_loop3A_543] : memref<4x256x100xf32, #tpu.memory_space<vmem>> -> memref<1x256x100xf32, #tpu.memory_space<vmem>>
        %parallel_loop3A_545 = tpu.memref_squeeze %parallel_loop3A_544 : memref<1x256x100xf32, #tpu.memory_space<vmem>> -> memref<256x100xf32, #tpu.memory_space<vmem>>
        %parallel_loop3A_546 = tpu.vector_load_idx %parallel_loop3A_545[%parallel_loop3A_527, %parallel_loop3A_540] : memref<256x100xf32, #tpu.memory_space<vmem>>[vector<16xi32>, vector<16xi32>], vector<16xf32>,
        %parallel_loop3A_547 = arith.constant 5.000000e-01 : f32
        %parallel_loop3A_548 = vector.broadcast %parallel_loop3A_547 : f32 to vector<16xf32>
        %parallel_loop3A_549 = arith.cmpf ogt, %parallel_loop3A_546, %parallel_loop3A_548 : vector<16xf32>
        %parallel_loop3A_550 = arith.constant 2 : i32
        %parallel_loop3A_551 = vector.broadcast %parallel_loop3A_550 : i32 to vector<16xi32>
        %parallel_loop3A_552 = arith.constant 3 : i32
        %parallel_loop3A_553 = arith.constant 0 : i32
        %parallel_loop3A_554 = arith.constant 0 : i32
        %parallel_loop3A_555 = tpu.memref_slice %arg4[%parallel_loop3A_552, %parallel_loop3A_553, %parallel_loop3A_554] : memref<4x256x100xf32, #tpu.memory_space<vmem>> -> memref<1x256x100xf32, #tpu.memory_space<vmem>>
        %parallel_loop3A_556 = tpu.memref_squeeze %parallel_loop3A_555 : memref<1x256x100xf32, #tpu.memory_space<vmem>> -> memref<256x100xf32, #tpu.memory_space<vmem>>
        %parallel_loop3A_557 = tpu.vector_load_idx %parallel_loop3A_556[%parallel_loop3A_527, %parallel_loop3A_551] : memref<256x100xf32, #tpu.memory_space<vmem>>[vector<16xi32>, vector<16xi32>], vector<16xf32>,
        %parallel_loop3A_558 = arith.constant 5.000000e-01 : f32
        %parallel_loop3A_559 = vector.broadcast %parallel_loop3A_558 : f32 to vector<16xf32>
        %parallel_loop3A_560 = arith.cmpf ogt, %parallel_loop3A_557, %parallel_loop3A_559 : vector<16xf32>
        %parallel_loop3A_561 = arith.constant 3 : i32
        %parallel_loop3A_562 = vector.broadcast %parallel_loop3A_561 : i32 to vector<16xi32>
        %parallel_loop3A_563 = arith.constant 3 : i32
        %parallel_loop3A_564 = arith.constant 0 : i32
        %parallel_loop3A_565 = arith.constant 0 : i32
        %parallel_loop3A_566 = tpu.memref_slice %arg4[%parallel_loop3A_563, %parallel_loop3A_564, %parallel_loop3A_565] : memref<4x256x100xf32, #tpu.memory_space<vmem>> -> memref<1x256x100xf32, #tpu.memory_space<vmem>>
        %parallel_loop3A_567 = tpu.memref_squeeze %parallel_loop3A_566 : memref<1x256x100xf32, #tpu.memory_space<vmem>> -> memref<256x100xf32, #tpu.memory_space<vmem>>
        %parallel_loop3A_568 = tpu.vector_load_idx %parallel_loop3A_567[%parallel_loop3A_527, %parallel_loop3A_562] : memref<256x100xf32, #tpu.memory_space<vmem>>[vector<16xi32>, vector<16xi32>], vector<16xf32>,
        %parallel_loop3A_569 = arith.constant 5.000000e-01 : f32
        %parallel_loop3A_570 = vector.broadcast %parallel_loop3A_569 : f32 to vector<16xf32>
        %parallel_loop3A_571 = arith.cmpf ogt, %parallel_loop3A_568, %parallel_loop3A_570 : vector<16xf32>
        %parallel_loop3A_572 = arith.ori %parallel_loop3A_549, %parallel_loop3A_560 : vector<16xi1>
        %parallel_loop3A_573 = arith.ori %parallel_loop3A_572, %parallel_loop3A_571 : vector<16xi1>
        %parallel_loop3A_574 = arith.andi %parallel_loop3A_538, %parallel_loop3A_573 : vector<16xi1>
        %parallel_loop3A_575 = arith.constant 0 : i32
        %parallel_loop3A_576 = vector.broadcast %parallel_loop3A_575 : i32 to vector<16xi32>
        %parallel_loop3A_577 = arith.constant 3 : i32
        %parallel_loop3A_578 = arith.constant 0 : i32
        %parallel_loop3A_579 = arith.constant 16 : i32
        %parallel_loop3A_580 = arith.addi %parallel_loop3A_578, %parallel_loop3A_579 : i32
        %parallel_loop3A_581 = arith.constant 1 : i32
        %parallel_loop3A_582:4 = scf.for %scan3A_624 = %parallel_loop3A_578 to %parallel_loop3A_580 step %parallel_loop3A_581 iter_args(%scan3A_625 = %parallel_loop3A_576, %scan3A_626 = %parallel_loop3A_576, %scan3A_627 = %parallel_loop3A_576, %scan3A_628 = %parallel_loop3A_576) -> (vector<16xi32>, vector<16xi32>, vector<16xi32>, vector<16xi32>)  : i32 {
          %parallel_loop3A_629 = arith.constant 16 : i32
          %parallel_loop3A_630 = arith.muli %parallel_loop3A_523, %parallel_loop3A_629 : i32
          %parallel_loop3A_631 = arith.addi %parallel_loop3A_630, %scan3A_624 : i32
          %parallel_loop3A_632 = vector.broadcast %scan3A_624 : i32 to vector<16xi32>
          %parallel_loop3A_633 = arith.cmpi eq, %iota3A, %parallel_loop3A_632 : vector<16xi32>
          %parallel_loop3A_634 = arith.constant 0 : i32
          %parallel_loop3A_635 = arith.constant 0 : i32
          %parallel_loop3A_636 = tpu.memref_slice %arg4[%parallel_loop3A_577, %parallel_loop3A_634, %parallel_loop3A_635] : memref<4x256x100xf32, #tpu.memory_space<vmem>> -> memref<1x256x100xf32, #tpu.memory_space<vmem>>
          %parallel_loop3A_637 = tpu.memref_squeeze %parallel_loop3A_636 : memref<1x256x100xf32, #tpu.memory_space<vmem>> -> memref<256x100xf32, #tpu.memory_space<vmem>>
          %parallel_loop3A_638 = arith.index_cast %parallel_loop3A_631 : i32 to index
          %parallel_loop3A_639 = arith.constant 4 : index
          %parallel_loop3A_640 = tpu.vector_load %parallel_loop3A_637[%parallel_loop3A_638, %parallel_loop3A_639] {strides = array<i32>} : memref<256x100xf32, #tpu.memory_space<vmem>>, vector<16xf32>,
          %parallel_loop3A_641 = arith.constant 5.000000e-01 : f32
          %parallel_loop3A_642 = vector.broadcast %parallel_loop3A_641 : f32 to vector<16xf32>
          %parallel_loop3A_643 = arith.cmpf ogt, %parallel_loop3A_640, %parallel_loop3A_642 : vector<16xf32>
          %parallel_loop3A_644 = tpu.all_reduce %parallel_loop3A_643 {dim = 0 : i64, kind = #tpu.reduction_kind<find_first_set>} : vector<16xi1> -> vector<16xi32>
          %parallel_loop3A_645 = arith.select %parallel_loop3A_633, %parallel_loop3A_644, %scan3A_625 : vector<16xi1>, vector<16xi32>
          %parallel_loop3A_646 = arith.constant 0 : i32
          %parallel_loop3A_647 = arith.constant 0 : i32
          %parallel_loop3A_648 = tpu.memref_slice %arg4[%parallel_loop3A_577, %parallel_loop3A_646, %parallel_loop3A_647] : memref<4x256x100xf32, #tpu.memory_space<vmem>> -> memref<1x256x100xf32, #tpu.memory_space<vmem>>
          %parallel_loop3A_649 = tpu.memref_squeeze %parallel_loop3A_648 : memref<1x256x100xf32, #tpu.memory_space<vmem>> -> memref<256x100xf32, #tpu.memory_space<vmem>>
          %parallel_loop3A_650 = arith.index_cast %parallel_loop3A_631 : i32 to index
          %parallel_loop3A_651 = arith.constant 20 : index
          %parallel_loop3A_652 = tpu.vector_load %parallel_loop3A_649[%parallel_loop3A_650, %parallel_loop3A_651] {strides = array<i32>} : memref<256x100xf32, #tpu.memory_space<vmem>>, vector<16xf32>,
          %parallel_loop3A_653 = arith.constant 5.000000e-01 : f32
          %parallel_loop3A_654 = vector.broadcast %parallel_loop3A_653 : f32 to vector<16xf32>
          %parallel_loop3A_655 = arith.cmpf ogt, %parallel_loop3A_652, %parallel_loop3A_654 : vector<16xf32>
          %parallel_loop3A_656 = tpu.all_reduce %parallel_loop3A_655 {dim = 0 : i64, kind = #tpu.reduction_kind<find_first_set>} : vector<16xi1> -> vector<16xi32>
          %parallel_loop3A_657 = arith.select %parallel_loop3A_633, %parallel_loop3A_656, %scan3A_626 : vector<16xi1>, vector<16xi32>
          %parallel_loop3A_658 = arith.constant 0 : i32
          %parallel_loop3A_659 = arith.constant 0 : i32
          %parallel_loop3A_660 = tpu.memref_slice %arg4[%parallel_loop3A_577, %parallel_loop3A_658, %parallel_loop3A_659] : memref<4x256x100xf32, #tpu.memory_space<vmem>> -> memref<1x256x100xf32, #tpu.memory_space<vmem>>
          %parallel_loop3A_661 = tpu.memref_squeeze %parallel_loop3A_660 : memref<1x256x100xf32, #tpu.memory_space<vmem>> -> memref<256x100xf32, #tpu.memory_space<vmem>>
          %parallel_loop3A_662 = arith.index_cast %parallel_loop3A_631 : i32 to index
          %parallel_loop3A_663 = arith.constant 36 : index
          %parallel_loop3A_664 = tpu.vector_load %parallel_loop3A_661[%parallel_loop3A_662, %parallel_loop3A_663] {strides = array<i32>} : memref<256x100xf32, #tpu.memory_space<vmem>>, vector<16xf32>,
          %parallel_loop3A_665 = arith.constant 5.000000e-01 : f32
          %parallel_loop3A_666 = vector.broadcast %parallel_loop3A_665 : f32 to vector<16xf32>
          %parallel_loop3A_667 = arith.cmpf ogt, %parallel_loop3A_664, %parallel_loop3A_666 : vector<16xf32>
          %parallel_loop3A_668 = tpu.all_reduce %parallel_loop3A_667 {dim = 0 : i64, kind = #tpu.reduction_kind<find_first_set>} : vector<16xi1> -> vector<16xi32>
          %parallel_loop3A_669 = arith.select %parallel_loop3A_633, %parallel_loop3A_668, %scan3A_627 : vector<16xi1>, vector<16xi32>
          %parallel_loop3A_670 = arith.constant 0 : i32
          %parallel_loop3A_671 = arith.constant 0 : i32
          %parallel_loop3A_672 = tpu.memref_slice %arg4[%parallel_loop3A_577, %parallel_loop3A_670, %parallel_loop3A_671] : memref<4x256x100xf32, #tpu.memory_space<vmem>> -> memref<1x256x100xf32, #tpu.memory_space<vmem>>
          %parallel_loop3A_673 = tpu.memref_squeeze %parallel_loop3A_672 : memref<1x256x100xf32, #tpu.memory_space<vmem>> -> memref<256x100xf32, #tpu.memory_space<vmem>>
          %parallel_loop3A_674 = arith.index_cast %parallel_loop3A_631 : i32 to index
          %parallel_loop3A_675 = arith.constant 52 : index
          %parallel_loop3A_676 = tpu.vector_load %parallel_loop3A_673[%parallel_loop3A_674, %parallel_loop3A_675] {strides = array<i32>} : memref<256x100xf32, #tpu.memory_space<vmem>>, vector<16xf32>,
          %parallel_loop3A_677 = arith.constant 5.000000e-01 : f32
          %parallel_loop3A_678 = vector.broadcast %parallel_loop3A_677 : f32 to vector<16xf32>
          %parallel_loop3A_679 = arith.cmpf ogt, %parallel_loop3A_676, %parallel_loop3A_678 : vector<16xf32>
          %parallel_loop3A_680 = tpu.all_reduce %parallel_loop3A_679 {dim = 0 : i64, kind = #tpu.reduction_kind<find_first_set>} : vector<16xi1> -> vector<16xi32>
          %parallel_loop3A_681 = arith.select %parallel_loop3A_633, %parallel_loop3A_680, %scan3A_628 : vector<16xi1>, vector<16xi32>
          scf.yield %parallel_loop3A_645, %parallel_loop3A_657, %parallel_loop3A_669, %parallel_loop3A_681 : vector<16xi32>, vector<16xi32>, vector<16xi32>, vector<16xi32>
        }
        %parallel_loop3A_583 = arith.constant 16 : i32
        %parallel_loop3A_584 = arith.constant 15 : i32
        %parallel_loop3A_585 = vector.broadcast %parallel_loop3A_584 : i32 to vector<16xi32>
        %parallel_loop3A_586 = arith.andi %parallel_loop3A_582#0, %parallel_loop3A_585 : vector<16xi32>
        %parallel_loop3A_587 = arith.constant 15 : i32
        %parallel_loop3A_588 = vector.broadcast %parallel_loop3A_587 : i32 to vector<16xi32>
        %parallel_loop3A_589 = arith.andi %parallel_loop3A_582#1, %parallel_loop3A_588 : vector<16xi32>
        %parallel_loop3A_590 = arith.constant 15 : i32
        %parallel_loop3A_591 = vector.broadcast %parallel_loop3A_590 : i32 to vector<16xi32>
        %parallel_loop3A_592 = arith.andi %parallel_loop3A_582#2, %parallel_loop3A_591 : vector<16xi32>
        %parallel_loop3A_593 = arith.constant 15 : i32
        %parallel_loop3A_594 = vector.broadcast %parallel_loop3A_593 : i32 to vector<16xi32>
        %parallel_loop3A_595 = arith.andi %parallel_loop3A_582#3, %parallel_loop3A_594 : vector<16xi32>
        %parallel_loop3A_596 = arith.andi %parallel_loop3A_586, %parallel_loop3A_592 : vector<16xi32>
        %parallel_loop3A_597 = arith.ori %parallel_loop3A_586, %parallel_loop3A_592 : vector<16xi32>
        %parallel_loop3A_598 = arith.xori %parallel_loop3A_586, %parallel_loop3A_592 : vector<16xi32>
        %parallel_loop3A_599 = arith.select %parallel_loop3A_560, %parallel_loop3A_597, %parallel_loop3A_598 : vector<16xi1>, vector<16xi32>
        %parallel_loop3A_600 = arith.select %parallel_loop3A_549, %parallel_loop3A_596, %parallel_loop3A_599 : vector<16xi1>, vector<16xi32>
        %parallel_loop3A_601 = arith.andi %parallel_loop3A_589, %parallel_loop3A_595 : vector<16xi32>
        %parallel_loop3A_602 = arith.ori %parallel_loop3A_589, %parallel_loop3A_595 : vector<16xi32>
        %parallel_loop3A_603 = arith.xori %parallel_loop3A_589, %parallel_loop3A_595 : vector<16xi32>
        %parallel_loop3A_604 = arith.select %parallel_loop3A_560, %parallel_loop3A_602, %parallel_loop3A_603 : vector<16xi1>, vector<16xi32>
        %parallel_loop3A_605 = arith.select %parallel_loop3A_549, %parallel_loop3A_601, %parallel_loop3A_604 : vector<16xi1>, vector<16xi32>
        %parallel_loop3A_606 = arith.constant 2.000000e+00 : f32
        %parallel_loop3A_607 = vector.broadcast %parallel_loop3A_606 : f32 to vector<16xf32>
        %parallel_loop3A_608 = arith.constant 68 : i32
        %parallel_loop3A_609 = vector.broadcast %parallel_loop3A_608 : i32 to vector<16xi32>
        %parallel_loop3A_610 = arith.addi %parallel_loop3A_609, %parallel_loop3A_600 : vector<16xi32>
        %parallel_loop3A_611 = arith.constant 3 : i32
        %parallel_loop3A_612 = arith.constant 0 : i32
        %parallel_loop3A_613 = arith.constant 0 : i32
        %parallel_loop3A_614 = tpu.memref_slice %arg4[%parallel_loop3A_611, %parallel_loop3A_612, %parallel_loop3A_613] : memref<4x256x100xf32, #tpu.memory_space<vmem>> -> memref<1x256x100xf32, #tpu.memory_space<vmem>>
        %parallel_loop3A_615 = tpu.memref_squeeze %parallel_loop3A_614 : memref<1x256x100xf32, #tpu.memory_space<vmem>> -> memref<256x100xf32, #tpu.memory_space<vmem>>
        tpu.vector_store_idx %parallel_loop3A_615[%parallel_loop3A_527, %parallel_loop3A_610], %parallel_loop3A_607 masked %parallel_loop3A_574 {add = true} : memref<256x100xf32, #tpu.memory_space<vmem>>[vector<16xi32>, vector<16xi32>], vector<16xf32>, vector<16xi1>
        %parallel_loop3A_616 = arith.constant 84 : i32
        %parallel_loop3A_617 = vector.broadcast %parallel_loop3A_616 : i32 to vector<16xi32>
        %parallel_loop3A_618 = arith.addi %parallel_loop3A_617, %parallel_loop3A_605 : vector<16xi32>
        %parallel_loop3A_619 = arith.constant 3 : i32
        %parallel_loop3A_620 = arith.constant 0 : i32
        %parallel_loop3A_621 = arith.constant 0 : i32
        %parallel_loop3A_622 = tpu.memref_slice %arg4[%parallel_loop3A_619, %parallel_loop3A_620, %parallel_loop3A_621] : memref<4x256x100xf32, #tpu.memory_space<vmem>> -> memref<1x256x100xf32, #tpu.memory_space<vmem>>
        %parallel_loop3A_623 = tpu.memref_squeeze %parallel_loop3A_622 : memref<1x256x100xf32, #tpu.memory_space<vmem>> -> memref<256x100xf32, #tpu.memory_space<vmem>>
        tpu.vector_store_idx %parallel_loop3A_623[%parallel_loop3A_527, %parallel_loop3A_618], %parallel_loop3A_607 masked %parallel_loop3A_574 {add = true} : memref<256x100xf32, #tpu.memory_space<vmem>>[vector<16xi32>, vector<16xi32>], vector<16xf32>, vector<16xi1>
      } {sc.loop_unroll_factor = 1 : i64, sc.parallel_access}
      %add3A_492 = arith.constant 3 : i32
      %add3A_493 = arith.addi %mul3A_252, %add3A_492 : i32
      %mul3A_494 = arith.constant 256 : i32
      %mul3A_495 = arith.muli %add3A_493, %mul3A_494 : i32
      %add3A_496 = arith.addi %mul3A_32, %mul3A_495 : i32
      %dma_start3A_497 = arith.constant 3 : i32
      %dma_start3A_498 = arith.constant 0 : i32
      %dma_start3A_499 = arith.constant 0 : i32
      %dma_start3A_500 = tpu.memref_slice %arg4[%dma_start3A_497, %dma_start3A_498, %dma_start3A_499] : memref<4x256x100xf32, #tpu.memory_space<vmem>> -> memref<1x256x100xf32, #tpu.memory_space<vmem>>
      %dma_start3A_501 = tpu.memref_squeeze %dma_start3A_500 : memref<1x256x100xf32, #tpu.memory_space<vmem>> -> memref<256x100xf32, #tpu.memory_space<vmem>>
      %dma_start3A_502 = arith.constant 0 : i32
      %dma_start3A_503 = tpu.memref_slice %arg3[%select_n3A, %add3A_496, %dma_start3A_502] : memref<16x8192x100xf32, #tpu.memory_space<hbm>> -> memref<1x256x100xf32, #tpu.memory_space<hbm>>
      %dma_start3A_504 = tpu.memref_squeeze %dma_start3A_503 : memref<1x256x100xf32, #tpu.memory_space<hbm>> -> memref<256x100xf32, #tpu.memory_space<hbm>>
      %dma_start3A_505 = arith.constant 0 : i32
      %dma_start3A_506 = tpu.memref_slice %arg3[%select_n3A, %add3A_496, %dma_start3A_505] : memref<16x8192x100xf32, #tpu.memory_space<hbm>> -> memref<1x256x100xf32, #tpu.memory_space<hbm>>
      %dma_start3A_507 = tpu.memref_squeeze %dma_start3A_506 : memref<1x256x100xf32, #tpu.memory_space<hbm>> -> memref<256x100xf32, #tpu.memory_space<hbm>>
      %dma_start3A_508 = arith.constant 0 : i32
      %dma_start3A_509 = arith.constant 0 : i32
      %dma_start3A_510 = tpu.memref_slice %arg4[%dma_start3A_497, %dma_start3A_508, %dma_start3A_509] : memref<4x256x100xf32, #tpu.memory_space<vmem>> -> memref<1x256x100xf32, #tpu.memory_space<vmem>>
      %dma_start3A_511 = tpu.memref_squeeze %dma_start3A_510 : memref<1x256x100xf32, #tpu.memory_space<vmem>> -> memref<256x100xf32, #tpu.memory_space<vmem>>
      tpu.enqueue_dma source(%dma_start3A_511 : memref<256x100xf32, #tpu.memory_space<vmem>>) target(%dma_start3A_507 : memref<256x100xf32, #tpu.memory_space<hbm>>) target_semaphore(%arg12 : memref<!tpu.dma_semaphore, #tpu.memory_space<semaphore_mem>>)
      %lt3A_512 = arith.constant 3 : i32
      %lt3A_513 = arith.cmpi slt, %scan3A_249, %lt3A_512 : i32
      %convert_element_type3A_514 = arith.extui %lt3A_513 : i1 to i32
      %cond3A_515 = arith.constant 0 : i32
      %cond3A_516 = arith.cmpi ne, %convert_element_type3A_514, %cond3A_515 : i32
      scf.if %cond3A_516 {
        %add3A_523 = arith.constant 2 : i32
        %add3A_524 = arith.addi %mul3A_252, %add3A_523 : i32
        %mul3A_525 = arith.constant 256 : i32
        %mul3A_526 = arith.muli %add3A_524, %mul3A_525 : i32
        %add3A_527 = arith.addi %mul3A_32, %mul3A_526 : i32
        %dma_wait3A_528 = arith.constant 2 : i32
        %dma_wait3A_529 = arith.constant 0 : i32
        %dma_wait3A_530 = arith.constant 0 : i32
        %dma_wait3A_531 = tpu.memref_slice %arg4[%dma_wait3A_528, %dma_wait3A_529, %dma_wait3A_530] : memref<4x256x100xf32, #tpu.memory_space<vmem>> -> memref<1x256x100xf32, #tpu.memory_space<vmem>>
        %dma_wait3A_532 = tpu.memref_squeeze %dma_wait3A_531 : memref<1x256x100xf32, #tpu.memory_space<vmem>> -> memref<256x100xf32, #tpu.memory_space<vmem>>
        %dma_wait3A_533 = arith.constant 0 : i32
        %dma_wait3A_534 = tpu.memref_slice %arg3[%select_n3A, %add3A_527, %dma_wait3A_533] : memref<16x8192x100xf32, #tpu.memory_space<hbm>> -> memref<1x256x100xf32, #tpu.memory_space<hbm>>
        %dma_wait3A_535 = tpu.memref_squeeze %dma_wait3A_534 : memref<1x256x100xf32, #tpu.memory_space<hbm>> -> memref<256x100xf32, #tpu.memory_space<hbm>>
        %dma_wait3A_536 = arith.constant 0 : i32
        %dma_wait3A_537 = tpu.memref_slice %arg3[%select_n3A, %add3A_527, %dma_wait3A_536] : memref<16x8192x100xf32, #tpu.memory_space<hbm>> -> memref<1x256x100xf32, #tpu.memory_space<hbm>>
        %dma_wait3A_538 = tpu.memref_squeeze %dma_wait3A_537 : memref<1x256x100xf32, #tpu.memory_space<hbm>> -> memref<256x100xf32, #tpu.memory_space<hbm>>
        %dma_wait3A_539 = arith.constant 0 : i32
        %dma_wait3A_540 = arith.constant 0 : i32
        %dma_wait3A_541 = tpu.memref_slice %arg4[%dma_wait3A_528, %dma_wait3A_539, %dma_wait3A_540] : memref<4x256x100xf32, #tpu.memory_space<vmem>> -> memref<1x256x100xf32, #tpu.memory_space<vmem>>
        %dma_wait3A_542 = tpu.memref_squeeze %dma_wait3A_541 : memref<1x256x100xf32, #tpu.memory_space<vmem>> -> memref<256x100xf32, #tpu.memory_space<vmem>>
        tpu.wait_dma2 semaphore(%arg11 : memref<!tpu.dma_semaphore, #tpu.memory_space<semaphore_mem>>) src(%dma_wait3A_542 : memref<256x100xf32, #tpu.memory_space<vmem>>) dst(%dma_wait3A_538 : memref<256x100xf32, #tpu.memory_space<hbm>>)
        %add3A_543 = arith.constant 2 : i32
        %add3A_544 = arith.addi %mul3A_252, %add3A_543 : i32
        %add3A_545 = arith.constant 4 : i32
        %add3A_546 = arith.addi %add3A_544, %add3A_545 : i32
        %mul3A_547 = arith.constant 256 : i32
        %mul3A_548 = arith.muli %add3A_546, %mul3A_547 : i32
        %add3A_549 = arith.addi %mul3A_32, %mul3A_548 : i32
        %dma_start3A_550 = arith.constant 2 : i32
        %dma_start3A_551 = arith.constant 0 : i32
        %dma_start3A_552 = arith.constant 0 : i32
        %dma_start3A_553 = tpu.memref_slice %arg4[%dma_start3A_550, %dma_start3A_551, %dma_start3A_552] : memref<4x256x100xf32, #tpu.memory_space<vmem>> -> memref<1x128x100xf32, #tpu.memory_space<vmem>>
        %dma_start3A_554 = tpu.memref_squeeze %dma_start3A_553 : memref<1x128x100xf32, #tpu.memory_space<vmem>> -> memref<128x100xf32, #tpu.memory_space<vmem>>
        %dma_start3A_555 = arith.constant 0 : i32
        %dma_start3A_556 = tpu.memref_slice %arg2[%select_n3A, %add3A_549, %dma_start3A_555] : memref<16x8192x100xf32, #tpu.memory_space<hbm>> -> memref<1x128x100xf32, #tpu.memory_space<hbm>>
        %dma_start3A_557 = tpu.memref_squeeze %dma_start3A_556 : memref<1x128x100xf32, #tpu.memory_space<hbm>> -> memref<128x100xf32, #tpu.memory_space<hbm>>
        %dma_start3A_558 = arith.constant 0 : i32
        %dma_start3A_559 = arith.constant 0 : i32
        %dma_start3A_560 = tpu.memref_slice %arg4[%dma_start3A_550, %dma_start3A_558, %dma_start3A_559] : memref<4x256x100xf32, #tpu.memory_space<vmem>> -> memref<1x128x100xf32, #tpu.memory_space<vmem>>
        %dma_start3A_561 = tpu.memref_squeeze %dma_start3A_560 : memref<1x128x100xf32, #tpu.memory_space<vmem>> -> memref<128x100xf32, #tpu.memory_space<vmem>>
        %dma_start3A_562 = arith.constant 0 : i32
        %dma_start3A_563 = tpu.memref_slice %arg2[%select_n3A, %add3A_549, %dma_start3A_562] : memref<16x8192x100xf32, #tpu.memory_space<hbm>> -> memref<1x128x100xf32, #tpu.memory_space<hbm>>
        %dma_start3A_564 = tpu.memref_squeeze %dma_start3A_563 : memref<1x128x100xf32, #tpu.memory_space<hbm>> -> memref<128x100xf32, #tpu.memory_space<hbm>>
        tpu.enqueue_dma source(%dma_start3A_564 : memref<128x100xf32, #tpu.memory_space<hbm>>) target(%dma_start3A_561 : memref<128x100xf32, #tpu.memory_space<vmem>>) target_semaphore(%arg7 : memref<!tpu.dma_semaphore, #tpu.memory_space<semaphore_mem>>)
        %mul3A_565 = arith.constant 256 : i32
        %mul3A_566 = arith.muli %add3A_546, %mul3A_565 : i32
        %add3A_567 = arith.addi %mul3A_32, %mul3A_566 : i32
        %add3A_568 = arith.constant 128 : i32
        %add3A_569 = arith.addi %add3A_567, %add3A_568 : i32
        %dma_start3A_570 = arith.constant 2 : i32
        %dma_start3A_571 = arith.constant 128 : i32
        %dma_start3A_572 = arith.constant 0 : i32
        %dma_start3A_573 = tpu.memref_slice %arg4[%dma_start3A_570, %dma_start3A_571, %dma_start3A_572] : memref<4x256x100xf32, #tpu.memory_space<vmem>> -> memref<1x128x100xf32, #tpu.memory_space<vmem>>
        %dma_start3A_574 = tpu.memref_squeeze %dma_start3A_573 : memref<1x128x100xf32, #tpu.memory_space<vmem>> -> memref<128x100xf32, #tpu.memory_space<vmem>>
        %dma_start3A_575 = arith.constant 0 : i32
        %dma_start3A_576 = tpu.memref_slice %arg2[%select_n3A, %add3A_569, %dma_start3A_575] : memref<16x8192x100xf32, #tpu.memory_space<hbm>> -> memref<1x128x100xf32, #tpu.memory_space<hbm>>
        %dma_start3A_577 = tpu.memref_squeeze %dma_start3A_576 : memref<1x128x100xf32, #tpu.memory_space<hbm>> -> memref<128x100xf32, #tpu.memory_space<hbm>>
        %dma_start3A_578 = arith.constant 128 : i32
        %dma_start3A_579 = arith.constant 0 : i32
        %dma_start3A_580 = tpu.memref_slice %arg4[%dma_start3A_570, %dma_start3A_578, %dma_start3A_579] : memref<4x256x100xf32, #tpu.memory_space<vmem>> -> memref<1x128x100xf32, #tpu.memory_space<vmem>>
        %dma_start3A_581 = tpu.memref_squeeze %dma_start3A_580 : memref<1x128x100xf32, #tpu.memory_space<vmem>> -> memref<128x100xf32, #tpu.memory_space<vmem>>
        %dma_start3A_582 = arith.constant 0 : i32
        %dma_start3A_583 = tpu.memref_slice %arg2[%select_n3A, %add3A_569, %dma_start3A_582] : memref<16x8192x100xf32, #tpu.memory_space<hbm>> -> memref<1x128x100xf32, #tpu.memory_space<hbm>>
        %dma_start3A_584 = tpu.memref_squeeze %dma_start3A_583 : memref<1x128x100xf32, #tpu.memory_space<hbm>> -> memref<128x100xf32, #tpu.memory_space<hbm>>
        tpu.enqueue_dma source(%dma_start3A_584 : memref<128x100xf32, #tpu.memory_space<hbm>>) target(%dma_start3A_581 : memref<128x100xf32, #tpu.memory_space<vmem>>) target_semaphore(%arg15 : memref<!tpu.dma_semaphore, #tpu.memory_space<semaphore_mem>>)
      } else {
      }
      %lt3A_517 = arith.constant 3 : i32
      %lt3A_518 = arith.cmpi slt, %scan3A_249, %lt3A_517 : i32
      %convert_element_type3A_519 = arith.extui %lt3A_518 : i1 to i32
      %cond3A_520 = arith.constant 0 : i32
      %cond3A_521 = arith.cmpi ne, %convert_element_type3A_519, %cond3A_520 : i32
      scf.if %cond3A_521 {
        %add3A_523 = arith.constant 3 : i32
        %add3A_524 = arith.addi %mul3A_252, %add3A_523 : i32
        %mul3A_525 = arith.constant 256 : i32
        %mul3A_526 = arith.muli %add3A_524, %mul3A_525 : i32
        %add3A_527 = arith.addi %mul3A_32, %mul3A_526 : i32
        %dma_wait3A_528 = arith.constant 3 : i32
        %dma_wait3A_529 = arith.constant 0 : i32
        %dma_wait3A_530 = arith.constant 0 : i32
        %dma_wait3A_531 = tpu.memref_slice %arg4[%dma_wait3A_528, %dma_wait3A_529, %dma_wait3A_530] : memref<4x256x100xf32, #tpu.memory_space<vmem>> -> memref<1x256x100xf32, #tpu.memory_space<vmem>>
        %dma_wait3A_532 = tpu.memref_squeeze %dma_wait3A_531 : memref<1x256x100xf32, #tpu.memory_space<vmem>> -> memref<256x100xf32, #tpu.memory_space<vmem>>
        %dma_wait3A_533 = arith.constant 0 : i32
        %dma_wait3A_534 = tpu.memref_slice %arg3[%select_n3A, %add3A_527, %dma_wait3A_533] : memref<16x8192x100xf32, #tpu.memory_space<hbm>> -> memref<1x256x100xf32, #tpu.memory_space<hbm>>
        %dma_wait3A_535 = tpu.memref_squeeze %dma_wait3A_534 : memref<1x256x100xf32, #tpu.memory_space<hbm>> -> memref<256x100xf32, #tpu.memory_space<hbm>>
        %dma_wait3A_536 = arith.constant 0 : i32
        %dma_wait3A_537 = tpu.memref_slice %arg3[%select_n3A, %add3A_527, %dma_wait3A_536] : memref<16x8192x100xf32, #tpu.memory_space<hbm>> -> memref<1x256x100xf32, #tpu.memory_space<hbm>>
        %dma_wait3A_538 = tpu.memref_squeeze %dma_wait3A_537 : memref<1x256x100xf32, #tpu.memory_space<hbm>> -> memref<256x100xf32, #tpu.memory_space<hbm>>
        %dma_wait3A_539 = arith.constant 0 : i32
        %dma_wait3A_540 = arith.constant 0 : i32
        %dma_wait3A_541 = tpu.memref_slice %arg4[%dma_wait3A_528, %dma_wait3A_539, %dma_wait3A_540] : memref<4x256x100xf32, #tpu.memory_space<vmem>> -> memref<1x256x100xf32, #tpu.memory_space<vmem>>
        %dma_wait3A_542 = tpu.memref_squeeze %dma_wait3A_541 : memref<1x256x100xf32, #tpu.memory_space<vmem>> -> memref<256x100xf32, #tpu.memory_space<vmem>>
        tpu.wait_dma2 semaphore(%arg12 : memref<!tpu.dma_semaphore, #tpu.memory_space<semaphore_mem>>) src(%dma_wait3A_542 : memref<256x100xf32, #tpu.memory_space<vmem>>) dst(%dma_wait3A_538 : memref<256x100xf32, #tpu.memory_space<hbm>>)
        %add3A_543 = arith.constant 3 : i32
        %add3A_544 = arith.addi %mul3A_252, %add3A_543 : i32
        %add3A_545 = arith.constant 4 : i32
        %add3A_546 = arith.addi %add3A_544, %add3A_545 : i32
        %mul3A_547 = arith.constant 256 : i32
        %mul3A_548 = arith.muli %add3A_546, %mul3A_547 : i32
        %add3A_549 = arith.addi %mul3A_32, %mul3A_548 : i32
        %dma_start3A_550 = arith.constant 3 : i32
        %dma_start3A_551 = arith.constant 0 : i32
        %dma_start3A_552 = arith.constant 0 : i32
        %dma_start3A_553 = tpu.memref_slice %arg4[%dma_start3A_550, %dma_start3A_551, %dma_start3A_552] : memref<4x256x100xf32, #tpu.memory_space<vmem>> -> memref<1x128x100xf32, #tpu.memory_space<vmem>>
        %dma_start3A_554 = tpu.memref_squeeze %dma_start3A_553 : memref<1x128x100xf32, #tpu.memory_space<vmem>> -> memref<128x100xf32, #tpu.memory_space<vmem>>
        %dma_start3A_555 = arith.constant 0 : i32
        %dma_start3A_556 = tpu.memref_slice %arg2[%select_n3A, %add3A_549, %dma_start3A_555] : memref<16x8192x100xf32, #tpu.memory_space<hbm>> -> memref<1x128x100xf32, #tpu.memory_space<hbm>>
        %dma_start3A_557 = tpu.memref_squeeze %dma_start3A_556 : memref<1x128x100xf32, #tpu.memory_space<hbm>> -> memref<128x100xf32, #tpu.memory_space<hbm>>
        %dma_start3A_558 = arith.constant 0 : i32
        %dma_start3A_559 = arith.constant 0 : i32
        %dma_start3A_560 = tpu.memref_slice %arg4[%dma_start3A_550, %dma_start3A_558, %dma_start3A_559] : memref<4x256x100xf32, #tpu.memory_space<vmem>> -> memref<1x128x100xf32, #tpu.memory_space<vmem>>
        %dma_start3A_561 = tpu.memref_squeeze %dma_start3A_560 : memref<1x128x100xf32, #tpu.memory_space<vmem>> -> memref<128x100xf32, #tpu.memory_space<vmem>>
        %dma_start3A_562 = arith.constant 0 : i32
        %dma_start3A_563 = tpu.memref_slice %arg2[%select_n3A, %add3A_549, %dma_start3A_562] : memref<16x8192x100xf32, #tpu.memory_space<hbm>> -> memref<1x128x100xf32, #tpu.memory_space<hbm>>
        %dma_start3A_564 = tpu.memref_squeeze %dma_start3A_563 : memref<1x128x100xf32, #tpu.memory_space<hbm>> -> memref<128x100xf32, #tpu.memory_space<hbm>>
        tpu.enqueue_dma source(%dma_start3A_564 : memref<128x100xf32, #tpu.memory_space<hbm>>) target(%dma_start3A_561 : memref<128x100xf32, #tpu.memory_space<vmem>>) target_semaphore(%arg8 : memref<!tpu.dma_semaphore, #tpu.memory_space<semaphore_mem>>)
        %mul3A_565 = arith.constant 256 : i32
        %mul3A_566 = arith.muli %add3A_546, %mul3A_565 : i32
        %add3A_567 = arith.addi %mul3A_32, %mul3A_566 : i32
        %add3A_568 = arith.constant 128 : i32
        %add3A_569 = arith.addi %add3A_567, %add3A_568 : i32
        %dma_start3A_570 = arith.constant 3 : i32
        %dma_start3A_571 = arith.constant 128 : i32
        %dma_start3A_572 = arith.constant 0 : i32
        %dma_start3A_573 = tpu.memref_slice %arg4[%dma_start3A_570, %dma_start3A_571, %dma_start3A_572] : memref<4x256x100xf32, #tpu.memory_space<vmem>> -> memref<1x128x100xf32, #tpu.memory_space<vmem>>
        %dma_start3A_574 = tpu.memref_squeeze %dma_start3A_573 : memref<1x128x100xf32, #tpu.memory_space<vmem>> -> memref<128x100xf32, #tpu.memory_space<vmem>>
        %dma_start3A_575 = arith.constant 0 : i32
        %dma_start3A_576 = tpu.memref_slice %arg2[%select_n3A, %add3A_569, %dma_start3A_575] : memref<16x8192x100xf32, #tpu.memory_space<hbm>> -> memref<1x128x100xf32, #tpu.memory_space<hbm>>
        %dma_start3A_577 = tpu.memref_squeeze %dma_start3A_576 : memref<1x128x100xf32, #tpu.memory_space<hbm>> -> memref<128x100xf32, #tpu.memory_space<hbm>>
        %dma_start3A_578 = arith.constant 128 : i32
        %dma_start3A_579 = arith.constant 0 : i32
        %dma_start3A_580 = tpu.memref_slice %arg4[%dma_start3A_570, %dma_start3A_578, %dma_start3A_579] : memref<4x256x100xf32, #tpu.memory_space<vmem>> -> memref<1x128x100xf32, #tpu.memory_space<vmem>>
        %dma_start3A_581 = tpu.memref_squeeze %dma_start3A_580 : memref<1x128x100xf32, #tpu.memory_space<vmem>> -> memref<128x100xf32, #tpu.memory_space<vmem>>
        %dma_start3A_582 = arith.constant 0 : i32
        %dma_start3A_583 = tpu.memref_slice %arg2[%select_n3A, %add3A_569, %dma_start3A_582] : memref<16x8192x100xf32, #tpu.memory_space<hbm>> -> memref<1x128x100xf32, #tpu.memory_space<hbm>>
        %dma_start3A_584 = tpu.memref_squeeze %dma_start3A_583 : memref<1x128x100xf32, #tpu.memory_space<hbm>> -> memref<128x100xf32, #tpu.memory_space<hbm>>
        tpu.enqueue_dma source(%dma_start3A_584 : memref<128x100xf32, #tpu.memory_space<hbm>>) target(%dma_start3A_581 : memref<128x100xf32, #tpu.memory_space<vmem>>) target_semaphore(%arg16 : memref<!tpu.dma_semaphore, #tpu.memory_space<semaphore_mem>>)
      } else {
      }
      %scan3A_522 = arith.constant 0 : i32
      scf.yield %scan3A_522 : i32
    }
    %scan3A_181 = arith.constant 4 : i32
    %add3A_182 = arith.constant 3072 : i32
    %add3A_183 = arith.addi %mul3A_32, %add3A_182 : i32
    %dma_wait3A = arith.constant 0 : i32
    %dma_wait3A_184 = arith.constant 0 : i32
    %dma_wait3A_185 = arith.constant 0 : i32
    %dma_wait3A_186 = tpu.memref_slice %arg4[%dma_wait3A, %dma_wait3A_184, %dma_wait3A_185] : memref<4x256x100xf32, #tpu.memory_space<vmem>> -> memref<1x256x100xf32, #tpu.memory_space<vmem>>
    %dma_wait3A_187 = tpu.memref_squeeze %dma_wait3A_186 : memref<1x256x100xf32, #tpu.memory_space<vmem>> -> memref<256x100xf32, #tpu.memory_space<vmem>>
    %dma_wait3A_188 = arith.constant 0 : i32
    %dma_wait3A_189 = tpu.memref_slice %arg3[%select_n3A, %add3A_183, %dma_wait3A_188] : memref<16x8192x100xf32, #tpu.memory_space<hbm>> -> memref<1x256x100xf32, #tpu.memory_space<hbm>>
    %dma_wait3A_190 = tpu.memref_squeeze %dma_wait3A_189 : memref<1x256x100xf32, #tpu.memory_space<hbm>> -> memref<256x100xf32, #tpu.memory_space<hbm>>
    %dma_wait3A_191 = arith.constant 0 : i32
    %dma_wait3A_192 = tpu.memref_slice %arg3[%select_n3A, %add3A_183, %dma_wait3A_191] : memref<16x8192x100xf32, #tpu.memory_space<hbm>> -> memref<1x256x100xf32, #tpu.memory_space<hbm>>
    %dma_wait3A_193 = tpu.memref_squeeze %dma_wait3A_192 : memref<1x256x100xf32, #tpu.memory_space<hbm>> -> memref<256x100xf32, #tpu.memory_space<hbm>>
    %dma_wait3A_194 = arith.constant 0 : i32
    %dma_wait3A_195 = arith.constant 0 : i32
    %dma_wait3A_196 = tpu.memref_slice %arg4[%dma_wait3A, %dma_wait3A_194, %dma_wait3A_195] : memref<4x256x100xf32, #tpu.memory_space<vmem>> -> memref<1x256x100xf32, #tpu.memory_space<vmem>>
    %dma_wait3A_197 = tpu.memref_squeeze %dma_wait3A_196 : memref<1x256x100xf32, #tpu.memory_space<vmem>> -> memref<256x100xf32, #tpu.memory_space<vmem>>
    tpu.wait_dma2 semaphore(%arg9 : memref<!tpu.dma_semaphore, #tpu.memory_space<semaphore_mem>>) src(%dma_wait3A_197 : memref<256x100xf32, #tpu.memory_space<vmem>>) dst(%dma_wait3A_193 : memref<256x100xf32, #tpu.memory_space<hbm>>)
    %add3A_198 = arith.constant 3328 : i32
    %add3A_199 = arith.addi %mul3A_32, %add3A_198 : i32
    %dma_wait3A_200 = arith.constant 1 : i32
    %dma_wait3A_201 = arith.constant 0 : i32
    %dma_wait3A_202 = arith.constant 0 : i32
    %dma_wait3A_203 = tpu.memref_slice %arg4[%dma_wait3A_200, %dma_wait3A_201, %dma_wait3A_202] : memref<4x256x100xf32, #tpu.memory_space<vmem>> -> memref<1x256x100xf32, #tpu.memory_space<vmem>>
    %dma_wait3A_204 = tpu.memref_squeeze %dma_wait3A_203 : memref<1x256x100xf32, #tpu.memory_space<vmem>> -> memref<256x100xf32, #tpu.memory_space<vmem>>
    %dma_wait3A_205 = arith.constant 0 : i32
    %dma_wait3A_206 = tpu.memref_slice %arg3[%select_n3A, %add3A_199, %dma_wait3A_205] : memref<16x8192x100xf32, #tpu.memory_space<hbm>> -> memref<1x256x100xf32, #tpu.memory_space<hbm>>
    %dma_wait3A_207 = tpu.memref_squeeze %dma_wait3A_206 : memref<1x256x100xf32, #tpu.memory_space<hbm>> -> memref<256x100xf32, #tpu.memory_space<hbm>>
    %dma_wait3A_208 = arith.constant 0 : i32
    %dma_wait3A_209 = tpu.memref_slice %arg3[%select_n3A, %add3A_199, %dma_wait3A_208] : memref<16x8192x100xf32, #tpu.memory_space<hbm>> -> memref<1x256x100xf32, #tpu.memory_space<hbm>>
    %dma_wait3A_210 = tpu.memref_squeeze %dma_wait3A_209 : memref<1x256x100xf32, #tpu.memory_space<hbm>> -> memref<256x100xf32, #tpu.memory_space<hbm>>
    %dma_wait3A_211 = arith.constant 0 : i32
    %dma_wait3A_212 = arith.constant 0 : i32
    %dma_wait3A_213 = tpu.memref_slice %arg4[%dma_wait3A_200, %dma_wait3A_211, %dma_wait3A_212] : memref<4x256x100xf32, #tpu.memory_space<vmem>> -> memref<1x256x100xf32, #tpu.memory_space<vmem>>
    %dma_wait3A_214 = tpu.memref_squeeze %dma_wait3A_213 : memref<1x256x100xf32, #tpu.memory_space<vmem>> -> memref<256x100xf32, #tpu.memory_space<vmem>>
    tpu.wait_dma2 semaphore(%arg10 : memref<!tpu.dma_semaphore, #tpu.memory_space<semaphore_mem>>) src(%dma_wait3A_214 : memref<256x100xf32, #tpu.memory_space<vmem>>) dst(%dma_wait3A_210 : memref<256x100xf32, #tpu.memory_space<hbm>>)
    %add3A_215 = arith.constant 3584 : i32
    %add3A_216 = arith.addi %mul3A_32, %add3A_215 : i32
    %dma_wait3A_217 = arith.constant 2 : i32
    %dma_wait3A_218 = arith.constant 0 : i32
    %dma_wait3A_219 = arith.constant 0 : i32
    %dma_wait3A_220 = tpu.memref_slice %arg4[%dma_wait3A_217, %dma_wait3A_218, %dma_wait3A_219] : memref<4x256x100xf32, #tpu.memory_space<vmem>> -> memref<1x256x100xf32, #tpu.memory_space<vmem>>
    %dma_wait3A_221 = tpu.memref_squeeze %dma_wait3A_220 : memref<1x256x100xf32, #tpu.memory_space<vmem>> -> memref<256x100xf32, #tpu.memory_space<vmem>>
    %dma_wait3A_222 = arith.constant 0 : i32
    %dma_wait3A_223 = tpu.memref_slice %arg3[%select_n3A, %add3A_216, %dma_wait3A_222] : memref<16x8192x100xf32, #tpu.memory_space<hbm>> -> memref<1x256x100xf32, #tpu.memory_space<hbm>>
    %dma_wait3A_224 = tpu.memref_squeeze %dma_wait3A_223 : memref<1x256x100xf32, #tpu.memory_space<hbm>> -> memref<256x100xf32, #tpu.memory_space<hbm>>
    %dma_wait3A_225 = arith.constant 0 : i32
    %dma_wait3A_226 = tpu.memref_slice %arg3[%select_n3A, %add3A_216, %dma_wait3A_225] : memref<16x8192x100xf32, #tpu.memory_space<hbm>> -> memref<1x256x100xf32, #tpu.memory_space<hbm>>
    %dma_wait3A_227 = tpu.memref_squeeze %dma_wait3A_226 : memref<1x256x100xf32, #tpu.memory_space<hbm>> -> memref<256x100xf32, #tpu.memory_space<hbm>>
    %dma_wait3A_228 = arith.constant 0 : i32
    %dma_wait3A_229 = arith.constant 0 : i32
    %dma_wait3A_230 = tpu.memref_slice %arg4[%dma_wait3A_217, %dma_wait3A_228, %dma_wait3A_229] : memref<4x256x100xf32, #tpu.memory_space<vmem>> -> memref<1x256x100xf32, #tpu.memory_space<vmem>>
    %dma_wait3A_231 = tpu.memref_squeeze %dma_wait3A_230 : memref<1x256x100xf32, #tpu.memory_space<vmem>> -> memref<256x100xf32, #tpu.memory_space<vmem>>
    tpu.wait_dma2 semaphore(%arg11 : memref<!tpu.dma_semaphore, #tpu.memory_space<semaphore_mem>>) src(%dma_wait3A_231 : memref<256x100xf32, #tpu.memory_space<vmem>>) dst(%dma_wait3A_227 : memref<256x100xf32, #tpu.memory_space<hbm>>)
    %add3A_232 = arith.constant 3840 : i32
    %add3A_233 = arith.addi %mul3A_32, %add3A_232 : i32
    %dma_wait3A_234 = arith.constant 3 : i32
    %dma_wait3A_235 = arith.constant 0 : i32
    %dma_wait3A_236 = arith.constant 0 : i32
    %dma_wait3A_237 = tpu.memref_slice %arg4[%dma_wait3A_234, %dma_wait3A_235, %dma_wait3A_236] : memref<4x256x100xf32, #tpu.memory_space<vmem>> -> memref<1x256x100xf32, #tpu.memory_space<vmem>>
    %dma_wait3A_238 = tpu.memref_squeeze %dma_wait3A_237 : memref<1x256x100xf32, #tpu.memory_space<vmem>> -> memref<256x100xf32, #tpu.memory_space<vmem>>
    %dma_wait3A_239 = arith.constant 0 : i32
    %dma_wait3A_240 = tpu.memref_slice %arg3[%select_n3A, %add3A_233, %dma_wait3A_239] : memref<16x8192x100xf32, #tpu.memory_space<hbm>> -> memref<1x256x100xf32, #tpu.memory_space<hbm>>
    %dma_wait3A_241 = tpu.memref_squeeze %dma_wait3A_240 : memref<1x256x100xf32, #tpu.memory_space<hbm>> -> memref<256x100xf32, #tpu.memory_space<hbm>>
    %dma_wait3A_242 = arith.constant 0 : i32
    %dma_wait3A_243 = tpu.memref_slice %arg3[%select_n3A, %add3A_233, %dma_wait3A_242] : memref<16x8192x100xf32, #tpu.memory_space<hbm>> -> memref<1x256x100xf32, #tpu.memory_space<hbm>>
    %dma_wait3A_244 = tpu.memref_squeeze %dma_wait3A_243 : memref<1x256x100xf32, #tpu.memory_space<hbm>> -> memref<256x100xf32, #tpu.memory_space<hbm>>
    %dma_wait3A_245 = arith.constant 0 : i32
    %dma_wait3A_246 = arith.constant 0 : i32
    %dma_wait3A_247 = tpu.memref_slice %arg4[%dma_wait3A_234, %dma_wait3A_245, %dma_wait3A_246] : memref<4x256x100xf32, #tpu.memory_space<vmem>> -> memref<1x256x100xf32, #tpu.memory_space<vmem>>
    %dma_wait3A_248 = tpu.memref_squeeze %dma_wait3A_247 : memref<1x256x100xf32, #tpu.memory_space<vmem>> -> memref<256x100xf32, #tpu.memory_space<vmem>>
    tpu.wait_dma2 semaphore(%arg12 : memref<!tpu.dma_semaphore, #tpu.memory_space<semaphore_mem>>) src(%dma_wait3A_248 : memref<256x100xf32, #tpu.memory_space<vmem>>) dst(%dma_wait3A_244 : memref<256x100xf32, #tpu.memory_space<hbm>>)
    return
  }
}

</mosaic_0001>

<sc_bundles>
// kernel: kernel.3.cloned.1.call-start
scs
__scs_entry_jumppad:
0x0: {  	(pc) =	sbr.rel $0x88, $3  }
0x1: {  	(tag) =	ssettag $0x0;
	lr =	simm.s32 $0x1  }
0x2: {  	[smem:$0x3FA0] =	sst lr;
	_ =	strace $0xD0000000  }
0x3: {  	_ = 	snop  }
0x4: {  	_ = 	snop  }
0x5: {  	_ = 	snop  }
0x6: {  	_ = 	snop  }
0x7: {  	_ = 	snop  }
__scs_overlays_trampoline_lowered:
0x8: {  	[smem:$0x3FAF] =	sst s0  }
0x9: {  	[smem:$0x3FB0] =	sst s1  }
0xa: {  	[smem:$0x3FB1] =	sst s2  }
0xb: {  	[smem:$0x3FB2] =	sst s3  }
0xc: {  	[smem:$0x3FB3] =	sst s4  }
0xd: {  	[smem:$0x3FB4] =	sst s5  }
0xe: {  	[smem:$0x3FB5] =	sst s6  }
0xf: {  	[smem:$0x3FB6] =	sst s7  }
0x10: {  	[smem:$0x3FB7] =	sst s8  }
0x11: {  	[smem:$0x3FB8] =	sst s9;
	s0 =	simm.s32 @!p0 $0x0  }
0x12: {  	s1 =	sld [smem:$0x3F9E];
	s0 =	simm.s32 @p0 $0x1  }
0x13: {  	[smem:$0x3FB9] =	sst s0;
	s0 =	simm.s32 @!p1 $0x0  }
0x14: {  	s2 =	sld [smem:$0x3F9D];
	s0 =	simm.s32 @p1 $0x1  }
0x15: {  	[smem:$0x3FBA] =	sst s0;
	s0 =	simm.s32 @!p2 $0x0  }
0x16: {  	s3 =	sld [smem:$0x3FDB];
	s0 =	simm.s32 @p2 $0x1  }
0x17: {  	s4 =	simm.s32 $0x1BF5;
	[smem:$0x3FBC] =	sst s0  }
0x18: {  	s0 =	sld [smem:$0x3F9F];
	_ =	swait.ge [sflag:s4], $0x0  }
0x19: {  	s7 =	sld [smem:$0x3FA0]  }
0x1a: {  	s8 =	sadd.s32 $0xFFFFE003, lr  }
0x1b: {  	s9 =	sadd.s32 $0xFFFFFEF7, lr;
	s5 =	simm.s32 $0xFFFFFFFF;
	p2 =	slt.u32 s8, $0xFFFFF086  }
0x1c: {  	p1 =	slt.u32 s9, $0xF7A;
	s5 =	simm.s32 @!p2 $0x0  }
0x1d: {  	s5 =	simm.s32 @p1 $0x1;
	p0 =	seq.s32 s7, s2  }
0x1e: {  	s7 =	smul.u32 @!p0 $0xF7A, s2;
	p2 =	seq.s32 @!p0 s5, $0x0  }
0x1f: {  	s9 =	smul.u32 $0xF7A, s1;
	s8 =	simm.s32 @!p0 $0x1BF5;
	p2 =	por !p2, p0  }
0x20: {  	[sflag:s8] =	ssyncset.s32 @!p0 $0xFFFFF086;
	s6 =	sadd.s32 @!p0 s3, s7;
	s7 =	simm.s32 @!p0 $0x108  }
0x21: {  	s3 =	sadd.s32 s3, s9;
	s6 =	sadd.s32 @!p0 $0x88, s6;
	s7 =	simm.s32 @p2 $0x1082  }
0x22: {  	[simem:s7], [sflag:s8] =	dma.local @!p0 [hbm:s6], $0xF7A  }
0x23: {  	s9 =	sor.u32 $0xD0000000, s2;
	s6 =	simm.s32 $0x108;
	_ =	swait.ge @!p0 [sflag:s8], $0x0  }
0x24: {  	s3 =	sadd.s32 $0x88, s3;
	s6 =	simm.s32 @!p1 $0x1082;
	[sflag:s4] =	ssyncset.s32 $0xFFFFF086  }
0x25: {  	[simem:s6], [sflag:s4] =	dma.local [hbm:s3], $0xF7A  }
0x26: {  	[smem:$0x3FA0] =	sst s1;
	(tag) =	ssettag s2;
	_ =	strace s9  }
0x27: {  	s1 =	sld [smem:$0x3FB0]  }
0x28: {  	s2 =	sld [smem:$0x3FB1]  }
0x29: {  	s4 =	sld [smem:$0x3FB3]  }
0x2a: {  	p0 =	seq.s32 s5, $0x0;
	s5 =	sld [smem:$0x3FB4]  }
0x2b: {  	s6 =	sld [smem:$0x3FB5]  }
0x2c: {  	s7 =	sld [smem:$0x3FB6]  }
0x2d: {  	s3 =	simm.s32 $0x108;
	s8 =	sld [smem:$0x3FB7]  }
0x2e: {  	s3 =	simm.s32 @!p0 $0x1082;
	s9 =	sld [smem:$0x3FB8]  }
0x2f: {  	lr =	sadd.s32 s0, s3;
	s0 =	sld [smem:$0x3FAF]  }
0x30: {  	s3 =	sld [smem:$0x3FB2]  }
0x31: {  	[smem:$0x3FBB] =	sst s10  }
0x32: {  	s10 =	sld [smem:$0x3FB9];
	_ =	sdelay $0x3  }
0x33: {  	p0 =	seq.s32 s10, $0x1;
	s10 =	sld [smem:$0x3FBB];
	_ =	sdelay $0x3  }
0x34: {  	[smem:$0x3FBB] =	sst s10  }
0x35: {  	s10 =	sld [smem:$0x3FBA];
	_ =	sdelay $0x3  }
0x36: {  	p1 =	seq.s32 s10, $0x1;
	s10 =	sld [smem:$0x3FBB];
	_ =	sdelay $0x3  }
0x37: {  	[smem:$0x3FBB] =	sst s10  }
0x38: {  	s10 =	sld [smem:$0x3FBC]  }
0x39: {  	_ = 	snop;
	(pc) =	sbr.ind lr, $3  }
0x3a: {  	_ = 	snop  }
0x3b: {  	_ = 	snop  }
0x3c: {  	p2 =	seq.s32 s10, $0x1;
	s10 =	sld [smem:$0x3FBB]  }
0x3d: {  	_ =	shalt  }
0x3e: {  	_ =	shalt  }
0x3f: {  	_ =	shalt  }
0x40: {  	_ =	shalt  }
0x41: {  	_ =	shalt  }
0x42: {  	_ =	shalt  }
0x43: {  	_ =	shalt  }
0x44: {  	_ =	shalt  }
0x45: {  	_ =	shalt  }
0x46: {  	_ =	shalt  }
0x47: {  	_ =	shalt  }
0x48: {  	_ =	shalt  }
0x49: {  	_ =	shalt  }
0x4a: {  	_ =	shalt  }
0x4b: {  	_ =	shalt  }
0x4c: {  	_ =	shalt  }
0x4d: {  	_ =	shalt  }
0x4e: {  	_ =	shalt  }
0x4f: {  	_ =	shalt  }
0x50: {  	_ =	shalt  }
0x51: {  	_ =	shalt  }
0x52: {  	_ =	shalt  }
0x53: {  	_ =	shalt  }
0x54: {  	_ =	shalt  }
0x55: {  	_ =	shalt  }
0x56: {  	_ =	shalt  }
0x57: {  	_ =	shalt  }
0x58: {  	_ =	shalt  }
0x59: {  	_ =	shalt  }
0x5a: {  	_ =	shalt  }
0x5b: {  	_ =	shalt  }
0x5c: {  	_ =	shalt  }
0x5d: {  	_ =	shalt  }
0x5e: {  	_ =	shalt  }
0x5f: {  	_ =	shalt  }
0x60: {  	_ =	shalt  }
0x61: {  	_ =	shalt  }
0x62: {  	_ =	shalt  }
0x63: {  	_ =	shalt  }
0x64: {  	_ =	shalt  }
0x65: {  	_ =	shalt  }
0x66: {  	_ =	shalt  }
0x67: {  	_ =	shalt  }
0x68: {  	_ =	shalt  }
0x69: {  	_ =	shalt  }
0x6a: {  	_ =	shalt  }
0x6b: {  	_ =	shalt  }
0x6c: {  	_ =	shalt  }
0x6d: {  	_ =	shalt  }
0x6e: {  	_ =	shalt  }
0x6f: {  	_ =	shalt  }
0x70: {  	_ =	shalt  }
0x71: {  	_ =	shalt  }
0x72: {  	_ =	shalt  }
0x73: {  	_ =	shalt  }
0x74: {  	_ =	shalt  }
0x75: {  	_ =	shalt  }
0x76: {  	_ =	shalt  }
0x77: {  	_ =	shalt  }
0x78: {  	_ =	shalt  }
0x79: {  	_ =	shalt  }
0x7a: {  	_ =	shalt  }
0x7b: {  	_ =	shalt  }
0x7c: {  	_ =	shalt  }
0x7d: {  	_ =	shalt  }
0x7e: {  	_ =	shalt  }
0x7f: {  	_ =	shalt  }
0x80: {  	_ =	shalt  }
0x81: {  	_ =	shalt  }
0x82: {  	_ =	shalt  }
0x83: {  	_ =	shalt  }
0x84: {  	_ =	shalt  }
0x85: {  	_ =	shalt  }
0x86: {  	_ =	shalt  }
0x87: {  	_ =	shalt  }
.Lfunc_end0:
.L_simem_size_0:
called_computation_lowered:
.L_overlay_start_0:
0x88: {  	s2 =	sld [smem:$0x3FD9]  }
0x89: {  	s3 =	sld [smem:$0x3FFE];
	_ =	sdelay $0x1  }
0x8a: {  	s1 =	srdreg.scid  }
0x8b: {  	s0 =	sand.u32 $0x1, s1  }
0x8c: {  	s16 =	sshll.u32 s0, $0xA;
	s2 =	sadd.s32 s3, s2  }
0x8d: {  	s2 =	sadd.s32 s2, s16  }
0x8e: {  	[smem:$0x3FC7] =	sst s2  }
0x8f: {  	_ = 	snop  }
0x90: {  	(tm) =	ssettm $0x1  }
0x91: {  	s17 =	sld [smem:$0x3FFB];
	_ =	sdelay $0x3  }
0x92: {  	_ =	strace s17  }
0x93: {  	s2 =	sld [smem:$0x3FFC];
	_ =	sdelay $0x3  }
0x94: {  	_ =	strace s2  }
0x95: {  	s2 =	sld [smem:$0x3FFD];
	_ =	sdelay $0x3  }
0x96: {  	_ =	strace s2  }
0x97: {  	_ =	strace $0x8FFFFFFF  }
0x98: {  	s18 =	sld [smem:$0x3FDB];
	_ =	sdelay $0x1  }
0x99: {  	s19 =	simm.s32 $_scs_section_size  }
0x9a: {  	s4 =	simm.s32 $_size__tile_overlayer_lowered;
	s5 =	simm.s32 $_tile_overlayer_lowered  }
0x9b: {  	s22 =	simm.s32 $0x1BFF;
	s21 =	sshll.u32 s5, $0x1;
	s2 =	sadd.s32 s19, s18  }
0x9c: {  	s6 =	simm.s32 $0x0;
	s20 =	sshll.u32 s4, $0x1;
	s4 =	sadd.s32 s21, s2  }
0x9d: {  	[timem:s6], [sflag:s22] =	dma.local [hbm:s4], s20  }
0x9e: {  	_ =	swait.ge [sflag:s22], s20  }
0x9f: {  	s3 =	ssub.s32 $0x0, s20;
	[sflag:s22] =	ssyncset.done $0x0  }
0xa0: {  	[sflag:s22] =	ssyncadd.s32 s3;
	_ =	sdelay $0x1  }
0xa1: {  	s23 =	simm.s32 $0x1B8B  }
0xa2: {  	_ =	swait.ge [sflag:s23], $0x1  }
0xa3: {  	[sflag:s23] =	ssyncset.done $0x0  }
0xa4: {  	s25 =	simm.s32 $0x1B8E;
	s24 =	sld [smem:$0x3FFE];
	[sflag:s23] =	ssyncadd.s32 $0xFFFFFFFF  }
0xa5: {  	s26 =	simm.s32 $execute0_lowered;
	[smem:$0x3FD2] =	sst s25  }
0xa6: {  	s4 =	sshll.u32 s26, $0x1;
	_ =	strace $0x80000046;
	[dreg:$0x1] =	wrdreg $0xFFFFFFFF  }
0xa7: {  	s28 =	simm.s32 $_size_execute0_lowered;
	s2 =	sadd.s32 s2, s4;
	[dreg:$0x0] =	wrdreg $0x0  }
0xa8: {  	s4 =	sshll.u32 s28, $0x1;
	[dreg:$0x2] =	wrdreg s2  }
0xa9: {  	[dreg:$0x3] =	wrdreg s4  }
0xaa: {  	[dreg:$0x4] =	wrdreg $0xC0  }
0xab: {  	_ =	task [dreg:s6], $0x5FFFF  }
0xac: {  	[dreg:$0x1] =	wrdreg $0xFFFFFFFF  }
0xad: {  	[dreg:$0x0] =	wrdreg $0x60  }
0xae: {  	[dreg:$0x2] =	wrdreg s24  }
0xaf: {  	[dreg:$0x3] =	wrdreg $0x9  }
0xb0: {  	_ =	task.clear_ibuf [dreg:s6], $0x4FFFF;
	_ =	strace $0x90000046  }
0xb1: {  	s29 =	simm.s32 $0x9;
	_ =	strace $0x80000048  }
0xb2: {  	_ =	swait.ge [sflag:s29], $0x1  }
0xb3: {  	[sflag:s29] =	ssyncadd.s32 $0xFFFFFFFF  }
0xb4: {  	_ =	strace $0x90000048  }
0xb5: {  	_ =	sfence  }
0xb6: {  	s30 =	sld [smem:$0x0];
	_ =	sdelay $0x2  }
0xb7: {  	s31 =	sshll.u32 s1, $0xD;
	s1 =	sshrl.u32 s1, $0x2  }
0xb8: {  	s3 =	sand.u32 $0x4000, s31;
	s1 =	sadd.s32 s1, s30  }
0xb9: {  	s0 =	sor.u32 s3, s0;
	s1 =	sshll.u32 s1, $0x11  }
0xba: {  	s0 =	sor.u32 s1, s0  }
0xbb: {  	s0 =	sadd.s32 $0x8F2B, s0  }
0xbc: {  	[sflag:s0] =	ssyncadd.remote.s32 $0x1  }
0xbd: {  	_ =	sfence.sel $0xFFFF  }
0xbe: {  	[dreg:$0x0] =	wrdreg $0xFFFFFFFF;
	(pc) =	sbr.abs _section_cstart, $3  }
0xbf: {  	[dreg:$0x1] =	wrdreg $0xFFFFFFFF  }
0xc0: {  	_ =	task.clear_ibuf [dreg:s6], $0x2FFFF;
	_ =	strace $0x9FFFFFFF  }
0xc1: {  	(tm) =	ssettm $0x7FFFFFFF  }
tec
execute0_lowered:
.L_overlay_start_1:
0x0: {  	(tag) =	ssettag $0x1  }
0x1: {  	s0 =	srdreg.scid;
	s4 =	stileid.u32  }
0x2: {  	s17 =	rddreg [dreg:$0x0];
	s3 =	simm.s32 $0x1;
	s2 =	simm.s32 $0x0  }
0x3: {  	s29 =	simm.s32 $0x18000;
	s31 =	simm.s32 $0x9;
	s0 =	sand.u32 $0x1, s0  }
0x4: {  	s10 =	simm.s32 $0x4;
	s11 =	simm.s32 $0xC;
	s1 =	sor.u32 s0, s4  }
0x5: {  	s14 =	simm.s32 $0x7;
	p1 =	seq.s32 s0, $0x1;
	p0 =	seq.s32 s1, $0x0  }
0x6: {  	s15 =	simm.s32 $0x8;
	[smem:$0x7FF] =	sst s2;
	p0 =	por !p0, !p1  }
0x7: {  	_ =	strace $0x80000047;
	s5 =	sshll.u32 s0, $0x13;
	p0 =	por !p0, !p0  }
0x8: {  	s7 =	ssub.s32 $0x2, s0;
	s9 =	sshll.u32 s0, $0xC;
	s3 =	simm.s32 @!p0 $0x0  }
0x9: {  	s18 =	sshrl.u32 s7, $0x1;
	s26 =	sor.u32 $0x600, s9;
	s3 =	ssub.s32 s4, s3  }
0xa: {  	s28 =	sor.u32 $0x700, s9;
	[dreg:$0xa] =	wrdreg s26;
	s3 =	sshll.u32 s3, $0x14  }
0xb: {  	s1 =	ssub.s32 s7, s18;
	[dreg:$0xb] =	wrdreg s28;
	s5 =	sor.u32 s5, s3  }
0xc: {  	s30 =	smax.u32 s1, $0x1;
	s4 =	sadd.s32 $0x400, s17;
	s8 =	sshrl.u32 s5, $0x3  }
0xd: {  	s12 =	simm.s32 $0x0;
	[dreg:$0xc] =	wrdreg s30;
	s8 =	sadd.s32 s4, s8  }
0xe: {  	s6 =	sadd.s32 $0x200400, s17;
	s19 =	sadd.s32 $0x800, s8;
	[dreg:$0x2] =	wrdreg s8  }
0xf: {  	s0 =	simm.s32 $0xA;
	s20 =	sadd.s32 $0x1000, s8;
	[dreg:$0x3] =	wrdreg s19  }
0x10: {  	s7 =	simm.s32 $0x1;
	s21 =	sadd.s32 $0x1800, s8;
	[dreg:$0x4] =	wrdreg s20  }
0x11: {  	s26 =	simm.s32 $0x10000;
	s22 =	sadd.s32 $0x2000, s8;
	[dreg:$0x5] =	wrdreg s21  }
.Ltmp0:
0x12: {  	s23 =	sadd.s32 $0x2800, s8;
	[dreg:$0x6] =	wrdreg s22;
	(pc) =	sbr.rel .LBB2_1-.Ltmp0, $4  }
0x13: {  	s1 =	simm.s32 $0x2;
	s24 =	sadd.s32 $0x3000, s8;
	[dreg:$0x7] =	wrdreg s23  }
0x14: {  	s17 =	sor.u32 $0x400, s9;
	s25 =	sadd.s32 $0x3800, s8;
	[dreg:$0x8] =	wrdreg s24  }
0x15: {  	v0 =	vlaneseq.u32;
	s18 =	sor.u32 $0x4000, s3;
	[dreg:$0x9] =	wrdreg s25;
	s19 =	sor.u32 $0x500, s9  }
0x16: {  	v2 =	vimm.f32 $2.000000000e+00;
	v1 =	vmul.u32 $0x80, v0;
	s24 =	simm.s32 $0x8000;
	s23 =	simm.s32 $0x3;
	s25 =	simm.s32 $0xB  }
.LBB2_20:
0x17: {  	s8 =	simm.s32 $0x5  }
0x18: {  	_ =	swait.ge [sflag:s8], $0x8000  }
0x19: {  	[sflag:s8] =	ssyncset.done $0x0  }
0x1a: {  	s28 =	simm.s32 $0x6;
	[sflag:s8] =	ssyncadd.s32 $0xFFFF8000  }
0x1b: {  	_ =	swait.ge [sflag:s28], $0x8000  }
0x1c: {  	[sflag:s28] =	ssyncset.done $0x0  }
0x1d: {  	[sflag:s28] =	ssyncadd.s32 $0xFFFF8000  }
0x1e: {  	_ =	swait.ge [sflag:s14], $0x8000  }
0x1f: {  	[sflag:s14] =	ssyncset.done $0x0  }
0x20: {  	[sflag:s14] =	ssyncadd.s32 $0xFFFF8000  }
0x21: {  	_ =	swait.ge [sflag:s15], $0x8000  }
0x22: {  	s12 =	rddreg [dreg:$0xd]  }
0x23: {  	s30 =	rddreg [dreg:$0xc];
	s12 =	sadd.s32 $0x1, s12  }
0x24: {  	p0 =	sne.s32 s12, s30  }
.Ltmp1:
0x25: {  	_ = 	snop;
	(pc) =	sbr.rel @!p0 .LBB2_21-.Ltmp1, $3  }
0x26: {  	_ =	sdelay $0x1  }
0x27: {  	[sflag:s15] =	ssyncset.done $0x0  }
0x28: {  	[sflag:s15] =	ssyncadd.s32 $0xFFFF8000  }
.LBB2_1:
0x29: {  	[dreg:$0xd] =	wrdreg s12  }
0x2a: {  	s8 =	rddreg [dreg:$0x2]  }
0x2b: {  	[tilespmem:s2], [sflag:$0x1] =	stream.linear.gather [hbm4b:s8+s2], $0x4000, $0x38;
	v63 =	vld [tilespmem:$0x0]  }
0x2c: {  	s22 =	rddreg [dreg:$0x3];
	s28 =	simm.s32 $0x4000  }
0x2d: {  	[tilespmem:s28], [sflag:$0x9] =	stream.linear.gather [hbm4b:s22+s2], $0x4000, $0x38;
	v63 =	vld [tilespmem:$0x0]  }
0x2e: {  	s30 =	rddreg [dreg:$0x4]  }
0x2f: {  	[tilespmem:s24], [sflag:$0x2] =	stream.linear.gather [hbm4b:s30+s2], $0x4000, $0x38;
	v63 =	vld [tilespmem:$0x0]  }
0x30: {  	s12 =	rddreg [dreg:$0x5];
	s13 =	simm.s32 $0xC000  }
0x31: {  	[tilespmem:s13], [sflag:$0xA] =	stream.linear.gather [hbm4b:s12+s2], $0x4000, $0x38;
	v63 =	vld [tilespmem:$0x0]  }
0x32: {  	s16 =	rddreg [dreg:$0x6]  }
0x33: {  	[tilespmem:s26], [sflag:$0x3] =	stream.linear.gather [hbm4b:s16+s2], $0x4000, $0x38;
	v63 =	vld [tilespmem:$0x0]  }
0x34: {  	s20 =	rddreg [dreg:$0x7];
	s21 =	simm.s32 $0x14000  }
0x35: {  	[tilespmem:s21], [sflag:$0xB] =	stream.linear.gather [hbm4b:s20+s2], $0x4000, $0x38;
	v63 =	vld [tilespmem:$0x0]  }
0x36: {  	s22 =	rddreg [dreg:$0x8]  }
0x37: {  	[tilespmem:s29], [sflag:$0x4] =	stream.linear.gather [hbm4b:s22+s2], $0x4000, $0x38;
	v63 =	vld [tilespmem:$0x0]  }
0x38: {  	s28 =	rddreg [dreg:$0x9];
	s30 =	simm.s32 $0x1C000;
	s22 =	simm.s32 $0x0  }
0x39: {  	[tilespmem:s30], [sflag:$0xC] =	stream.linear.gather [hbm4b:s28+s2], $0x4000, $0x38;
	v63 =	vld [tilespmem:$0x0]  }
.LBB2_2:
0x3a: {  	_ =	swait.ge [sflag:s7], $0x4000  }
0x3b: {  	[sflag:s7] =	ssyncset.done $0x0  }
0x3c: {  	[sflag:s7] =	ssyncadd.s32 $0xFFFFC000  }
0x3d: {  	_ =	swait.ge [sflag:s31], $0x4000  }
0x3e: {  	s8 =	simm.s32 $0x0;
	[sflag:s31] =	ssyncset.done $0x0  }
0x3f: {  	s12 =	simm.s32 $0x24;
	s13 =	simm.s32 $0x0;
	[sflag:s31] =	ssyncadd.s32 $0xFFFFC000  }
.LBB2_3:
0x40: {  	s16 =	sshll.u32 s13, $0x4  }
0x41: {  	v3 =	vmov s16  }
0x42: {  	v3 =	vshll.u32 v3, $0x7  }
0x43: {  	v3 =	vor.u32 v1, v3  }
0x44: {  	v9 =	vld [tilespmem:s12+$0x10];
	v5 =	vor.u32 $0x1, v3  }
0x45: {  	v14 =	vld [tilespmem:s12+$0xFFFFFFE0];
	v6 =	vor.u32 $0x2, v3  }
0x46: {  	v12 =	vld [tilespmem:s12+$0xFFFFFFF0];
	v7 =	vor.u32 $0x3, v3  }
0x47: {  	v13 =	vld [tilespmem:s12+$0x0]  }
0x48: {  	v4 =	vld.idx.msk [tilespmem:v3+s8+$0x0], $0xffff  }
0x49: {  	v5 =	vld.idx.msk [tilespmem:v5+s8+$0x0], $0xffff  }
0x4a: {  	v8 =	vimm.s32 $0x0;
	v11 =	vimm.s32 $0x0;
	v6 =	vld.idx.msk [tilespmem:v6+s8+$0x0], $0xffff  }
0x4b: {  	s28 =	sadd.s32 $0x80, s12;
	s20 =	simm.s32 $0x0;
	v10 =	vimm.s32 $0x0;
	s16 =	simm.s32 $0x1;
	vm0 =	vgt.f32 v9, $5.000000000e-01;
	v9 =	vimm.s32 $0x0;
	v7 =	vld.idx.msk [tilespmem:v7+s8+$0x0], $0xffff  }
.LBB2_4:
0x4c: {  	v15 =	vld [tilespmem:s28+$0x10];
	p0 =	sne.s32 s16, $0xF;
	v16 =	vmov s20;
	vm1 =	vgt.f32 v14, $5.000000000e-01;
	v17 =	vmctz.xlane vm0;
	s20 =	smov.u32 s16;
	s16 =	sadd.s32 $0x1, s16  }
.Ltmp2:
0x4d: {  	v14 =	vld [tilespmem:s28+$0xFFFFFFE0];
	vm2 =	veq.s32 v16, v0;
	v16 =	vmctz.xlane vm1;
	vm0 =	vgt.f32 v12, $5.000000000e-01;
	(pc) =	sbr.rel @p0 .LBB2_4-.Ltmp2, $4  }
0x4e: {  	v12 =	vld [tilespmem:s28+$0xFFFFFFF0];
	v18 =	vmctz.xlane vm0;
	vm0 =	vgt.f32 v13, $5.000000000e-01;
	v8 =	vsel vm2, v17, v8  }
0x4f: {  	v13 =	vld [tilespmem:s28+$0x0];
	v11 =	vsel vm2, v16, v11;
	v16 =	vmctz.xlane vm0  }
0x50: {  	v10 =	vsel vm2, v18, v10  }
0x51: {  	s28 =	sadd.s32 $0x80, s28;
	vm0 =	vgt.f32 v15, $5.000000000e-01;
	v9 =	vsel vm2, v16, v9  }
0x52: {  	v15 =	vmov s20;
	vm1 =	vgt.f32 v14, $5.000000000e-01  }
0x53: {  	v52 =	vmctz.xlane vm0;
	vm13 =	vgt.f32 v6, $5.000000000e-01;
	vm2 =	vgt.f32 v7, $5.000000000e-01  }
0x54: {  	vm14 =	vgt.f32 v5, $5.000000000e-01;
	vm3 =	vge.f32 v4, $5.000000000e-01;
	vm10 =	vgt.f32 v12, $5.000000000e-01  }
0x55: {  	v53 =	vmctz.xlane vm1;
	vm11 =	veq.s32 v15, v0;
	vm12 =	vgt.f32 v13, $5.000000000e-01  }
0x56: {  	vm2 =	vmor vm13, vm2;
	v54 =	vmctz.xlane vm10;
	v55 =	vmctz.xlane vm12  }
0x57: {  	v8 =	vsel vm11, v52, v8;
	vm2 =	vmor vm14, vm2;
	v11 =	vsel vm11, v53, v11  }
0x58: {  	v59 =	vand.u32 $0xF, v8;
	v10 =	vsel vm11, v54, v10;
	v56 =	vsel vm11, v55, v9  }
0x59: {  	v57 =	vand.u32 $0xF, v11;
	v58 =	vand.u32 $0xF, v10;
	v6 =	vand.u32 $0xF, v56  }
0x5a: {  	v62 =	vor.u32 v58, v59;
	v61 =	vor.u32 v57, v6;
	v4 =	vxor.u32 v57, v6  }
0x5b: {  	v5 =	vxor.u32 v58, v59;
	v60 =	vand.u32 v11, v6;
	v4 =	vsel vm13, v61, v4  }
0x5c: {  	v7 =	vand.u32 v10, v59;
	v5 =	vsel vm13, v62, v5;
	v4 =	vsel vm14, v60, v4  }
0x5d: {  	vm15 =	vmand vm3, vm2;
	v5 =	vsel vm14, v7, v5;
	v4 =	vadd.s32 v3, v4  }
0x5e: {  	s13 =	sadd.s32 $0x1, s13;
	v3 =	vadd.s32 v3, v5;
	v4 =	vadd.s32 $0x44, v4  }
0x5f: {  	p0 =	sne.s32 s13, $0x10;
	v3 =	vadd.s32 $0x54, v3  }
.Ltmp3:
0x60: {  	_ = 	snop;
	(pc) =	sbr.rel @p0 .LBB2_3-.Ltmp3, $3  }
0x61: {  	_ =	sdelay $0x1  }
0x62: {  	[tilespmem:v4+s2+$0x0] =	vst.idx.add.f32.msk vm15, v2  }
0x63: {  	s12 =	sadd.s32 $0x800, s12;
	[tilespmem:v3+s2+$0x0] =	vst.idx.add.f32.msk vm15, v2  }
0x64: {  	s8 =	sshll.u32 s22, $0x11  }
0x65: {  	s8 =	sadd.s32 s5, s8  }
0x66: {  	s8 =	sshrl.u32 s8, $0x3  }
0x67: {  	s12 =	sadd.s32 s6, s8;
	s8 =	simm.s32 $0x0  }
0x68: {  	[hbm4b:s12+s8] =	stream.linear.scatter [tilespmem:s8], [sflag:$0x5], $0x8000, $0x38;
	v63 =	vld [tilespmem:$0x0]  }
0x69: {  	_ =	swait.ge [sflag:s1], $0x4000  }
0x6a: {  	[sflag:s1] =	ssyncset.done $0x0  }
0x6b: {  	[sflag:s1] =	ssyncadd.s32 $0xFFFFC000  }
0x6c: {  	_ =	swait.ge [sflag:s0], $0x4000  }
0x6d: {  	[sflag:s0] =	ssyncset.done $0x0  }
0x6e: {  	s13 =	simm.s32 $0x0;
	s12 =	simm.s32 $0x0;
	[sflag:s0] =	ssyncadd.s32 $0xFFFFC000  }
.LBB2_7:
0x6f: {  	v8 =	vmov s12;
	_ =	sdelay $0x1  }
0x70: {  	s16 =	sshll.u32 s13, $0x4  }
0x71: {  	v3 =	vmov s16  }
0x72: {  	s30 =	simm.s32 $0x0;
	v3 =	vshll.u32 v3, $0x7  }
0x73: {  	v3 =	vor.u32 v1, v3;
	v10 =	vld.idx.msk [tilespmem:v8+s30+$0x8034 ss:$0x1], $0xffff  }
0x74: {  	v5 =	vor.u32 $0x1, v3;
	v12 =	vld.idx.msk [tilespmem:v8+s30+$0x8004 ss:$0x1], $0xffff  }
0x75: {  	v6 =	vor.u32 $0x2, v3;
	v13 =	vld.idx.msk [tilespmem:v8+s30+$0x8014 ss:$0x1], $0xffff  }
0x76: {  	s20 =	simm.s32 $0x80;
	v7 =	vor.u32 $0x3, v3;
	v14 =	vld.idx.msk [tilespmem:v8+s30+$0x8024 ss:$0x1], $0xffff  }
0x77: {  	v11 =	vld.idx.msk [tilespmem:v8+s20+$0x8034 ss:$0x1], $0xffff  }
0x78: {  	v4 =	vld.idx.msk [tilespmem:v3+s24+$0x0], $0xffff  }
0x79: {  	v5 =	vld.idx.msk [tilespmem:v5+s24+$0x0], $0xffff  }
0x7a: {  	v9 =	vimm.s32 $0x0;
	v6 =	vld.idx.msk [tilespmem:v6+s24+$0x0], $0xffff;
	vm0 =	vgt.f32 v10, $5.000000000e-01  }
0x7b: {  	v7 =	vld.idx.msk [tilespmem:v7+s24+$0x0], $0xffff;
	v10 =	vmov s8;
	vm1 =	vgt.f32 v12, $5.000000000e-01;
	v15 =	vmctz.xlane vm0  }
0x7c: {  	v12 =	vld.idx.msk [tilespmem:v8+s20+$0x8004 ss:$0x1], $0xffff;
	vm0 =	veq.s32 v10, v0;
	v16 =	vmctz.xlane vm1;
	vm1 =	vgt.f32 v13, $5.000000000e-01  }
0x7d: {  	v13 =	vld.idx.msk [tilespmem:v8+s20+$0x8014 ss:$0x1], $0xffff;
	v17 =	vmctz.xlane vm1;
	vm1 =	vgt.f32 v14, $5.000000000e-01;
	v10 =	vsel vm0, v15, v9  }
0x7e: {  	s28 =	simm.s32 $0x0;
	s16 =	simm.s32 $0x400;
	v15 =	vld.idx.msk [tilespmem:v8+s20+$0x8024 ss:$0x1], $0xffff;
	v14 =	vsel vm0, v16, v9;
	v18 =	vmctz.xlane vm1;
	v16 =	vimm.s32 $0x0  }
.LBB2_8:
0x7f: {  	s20 =	sshra.s32 s16, $0x2;
	p0 =	sne.s32 s16, $0x1E00;
	s16 =	sadd.s32 $0x200, s16;
	v9 =	vsel vm0, v17, v9  }
.Ltmp4:
0x80: {  	vm1 =	vgt.f32 v11, $5.000000000e-01;
	s28 =	sadd.s32 $0x1, s28;
	v11 =	vld.idx.msk [tilespmem:v8+s20+$0x8034 ss:$0x1], $0xffff;
	v16 =	vsel vm0, v18, v16;
	(pc) =	sbr.rel @p0 .LBB2_8-.Ltmp4, $4  }
0x81: {  	v17 =	vmov s28;
	vm2 =	vgt.f32 v12, $5.000000000e-01;
	v18 =	vmctz.xlane vm1;
	v12 =	vld.idx.msk [tilespmem:v8+s20+$0x8004 ss:$0x1], $0xffff  }
0x82: {  	vm0 =	veq.s32 v17, v0;
	v19 =	vmctz.xlane vm2;
	vm1 =	vgt.f32 v13, $5.000000000e-01;
	v13 =	vld.idx.msk [tilespmem:v8+s20+$0x8014 ss:$0x1], $0xffff  }
0x83: {  	v17 =	vmctz.xlane vm1;
	vm1 =	vgt.f32 v15, $5.000000000e-01;
	v10 =	vsel vm0, v18, v10;
	v15 =	vld.idx.msk [tilespmem:v8+s20+$0x8024 ss:$0x1], $0xffff  }
0x84: {  	v14 =	vsel vm0, v19, v14;
	v18 =	vmctz.xlane vm1  }
0x85: {  	v8 =	vsel vm0, v17, v9;
	vm1 =	vgt.f32 v11, $5.000000000e-01  }
0x86: {  	s16 =	sadd.s32 $0x1, s28;
	vm13 =	vgt.f32 v6, $5.000000000e-01;
	vm2 =	vgt.f32 v7, $5.000000000e-01;
	vm14 =	vgt.f32 v5, $5.000000000e-01  }
0x87: {  	vm3 =	vge.f32 v4, $5.000000000e-01;
	v49 =	vsel vm0, v18, v16;
	v50 =	vmov s16  }
0x88: {  	vm9 =	vgt.f32 v12, $5.000000000e-01;
	v51 =	vmctz.xlane vm1;
	vm2 =	vmor vm13, vm2  }
0x89: {  	v52 =	vmctz.xlane vm9;
	vm10 =	vgt.f32 v13, $5.000000000e-01;
	vm12 =	vgt.f32 v15, $5.000000000e-01  }
0x8a: {  	vm11 =	veq.s32 v50, v0;
	v53 =	vmctz.xlane vm10;
	v55 =	vmctz.xlane vm12  }
0x8b: {  	vm2 =	vmor vm14, vm2;
	v10 =	vsel vm11, v51, v10;
	v54 =	vsel vm11, v52, v14  }
0x8c: {  	v59 =	vand.u32 $0xF, v10;
	v8 =	vsel vm11, v53, v8;
	v56 =	vsel vm11, v55, v49  }
0x8d: {  	v57 =	vand.u32 $0xF, v54;
	v58 =	vand.u32 $0xF, v8;
	v6 =	vand.u32 $0xF, v56  }
0x8e: {  	v62 =	vor.u32 v58, v59;
	v61 =	vor.u32 v57, v6;
	v4 =	vxor.u32 v57, v6  }
0x8f: {  	v5 =	vxor.u32 v58, v59;
	v60 =	vand.u32 v54, v6;
	v4 =	vsel vm13, v61, v4  }
0x90: {  	v7 =	vand.u32 v8, v59;
	v5 =	vsel vm13, v62, v5;
	v4 =	vsel vm14, v60, v4  }
0x91: {  	vm15 =	vmand vm3, vm2;
	v5 =	vsel vm14, v7, v5;
	v4 =	vadd.s32 v3, v4  }
0x92: {  	s13 =	sadd.s32 $0x1, s13;
	v3 =	vadd.s32 v3, v5;
	v4 =	vadd.s32 $0x44, v4  }
0x93: {  	p0 =	sne.s32 s13, $0x10;
	v3 =	vadd.s32 $0x54, v3  }
.Ltmp5:
0x94: {  	_ = 	snop;
	(pc) =	sbr.rel @p0 .LBB2_7-.Ltmp5, $3  }
0x95: {  	_ =	sdelay $0x1  }
0x96: {  	[tilespmem:v4+s24+$0x0] =	vst.idx.add.f32.msk vm15, v2  }
0x97: {  	s12 =	sadd.s32 $0x800, s12;
	[tilespmem:v3+s24+$0x0] =	vst.idx.add.f32.msk vm15, v2  }
0x98: {  	s8 =	sshll.u32 s22, $0xA  }
0x99: {  	s12 =	sadd.s32 s8, s9  }
0x9a: {  	s12 =	sshll.u32 s12, $0x7  }
0x9b: {  	s12 =	sadd.s32 s3, s12  }
0x9c: {  	s13 =	sadd.s32 $0x8000, s12  }
0x9d: {  	s13 =	sshrl.u32 s13, $0x3  }
0x9e: {  	p0 =	seq.s32 s22, $0x3;
	s13 =	sadd.s32 s6, s13  }
0x9f: {  	[hbm4b:s13+s2] =	stream.linear.scatter [tilespmem:s24], [sflag:$0x6], $0x8000, $0x38;
	v63 =	vld [tilespmem:$0x0]  }
0xa0: {  	s16 =	simm.s32 @!p0 $0x5;
	s13 =	sadd.s32 @!p0 s8, s17  }
0xa1: {  	s13 =	sshll.u32 @!p0 s13, $0x7;
	_ =	swait.ge @!p0 [sflag:s16], $0x8000  }
0xa2: {  	s20 =	sadd.s32 @!p0 s3, s13;
	[sflag:s16] =	ssyncset.done @!p0 $0x0  }
0xa3: {  	s13 =	sadd.s32 @!p0 s13, s18;
	s20 =	sshrl.u32 @!p0 s20, $0x3;
	[sflag:s16] =	ssyncadd.s32 @!p0 $0xFFFF8000  }
0xa4: {  	s13 =	sshrl.u32 @!p0 s13, $0x3;
	s16 =	sadd.s32 @!p0 s4, s20;
	s20 =	simm.s32 @!p0 $0x0  }
0xa5: {  	[tilespmem:s20], [sflag:$0x1] =	stream.linear.gather @!p0 [hbm4b:s16+s20], $0x4000, $0x38;
	v63 =	vld [tilespmem:$0x0]  }
0xa6: {  	s13 =	sadd.s32 @!p0 s4, s13;
	s16 =	simm.s32 @!p0 $0x4000  }
0xa7: {  	[tilespmem:s16], [sflag:$0x9] =	stream.linear.gather @!p0 [hbm4b:s13+s20], $0x4000, $0x38;
	v63 =	vld [tilespmem:$0x0]  }
0xa8: {  	_ =	swait.ge [sflag:s23], $0x4000  }
0xa9: {  	[sflag:s23] =	ssyncset.done $0x0  }
0xaa: {  	[sflag:s23] =	ssyncadd.s32 $0xFFFFC000  }
0xab: {  	_ =	swait.ge [sflag:s25], $0x4000  }
0xac: {  	s28 =	simm.s32 $0x0;
	[sflag:s25] =	ssyncset.done $0x0  }
0xad: {  	s13 =	simm.s32 $0x0;
	s16 =	simm.s32 $0x0;
	[sflag:s25] =	ssyncadd.s32 $0xFFFFC000  }
.LBB2_11:
0xae: {  	v8 =	vmov s16;
	_ =	sdelay $0x1  }
0xaf: {  	s20 =	sshll.u32 s28, $0x4  }
0xb0: {  	v3 =	vmov s20  }
0xb1: {  	s21 =	simm.s32 $0x0;
	v3 =	vshll.u32 v3, $0x7  }
0xb2: {  	v3 =	vor.u32 v1, v3;
	v10 =	vld.idx.msk [tilespmem:v8+s21+$0x10034 ss:$0x1], $0xffff  }
0xb3: {  	v5 =	vor.u32 $0x1, v3;
	v12 =	vld.idx.msk [tilespmem:v8+s21+$0x10004 ss:$0x1], $0xffff  }
0xb4: {  	v6 =	vor.u32 $0x2, v3;
	v13 =	vld.idx.msk [tilespmem:v8+s21+$0x10014 ss:$0x1], $0xffff  }
0xb5: {  	v7 =	vor.u32 $0x3, v3;
	v14 =	vld.idx.msk [tilespmem:v8+s21+$0x10024 ss:$0x1], $0xffff;
	s21 =	simm.s32 $0x80  }
0xb6: {  	v11 =	vld.idx.msk [tilespmem:v8+s21+$0x10034 ss:$0x1], $0xffff  }
0xb7: {  	v4 =	vld.idx.msk [tilespmem:v3+s26+$0x0], $0xffff  }
0xb8: {  	v5 =	vld.idx.msk [tilespmem:v5+s26+$0x0], $0xffff  }
0xb9: {  	v9 =	vimm.s32 $0x0;
	v6 =	vld.idx.msk [tilespmem:v6+s26+$0x0], $0xffff;
	vm0 =	vgt.f32 v10, $5.000000000e-01  }
0xba: {  	v7 =	vld.idx.msk [tilespmem:v7+s26+$0x0], $0xffff;
	v10 =	vmov s13;
	vm1 =	vgt.f32 v12, $5.000000000e-01;
	v15 =	vmctz.xlane vm0  }
0xbb: {  	v12 =	vld.idx.msk [tilespmem:v8+s21+$0x10004 ss:$0x1], $0xffff;
	vm0 =	veq.s32 v10, v0;
	v16 =	vmctz.xlane vm1;
	vm1 =	vgt.f32 v13, $5.000000000e-01  }
0xbc: {  	v13 =	vld.idx.msk [tilespmem:v8+s21+$0x10014 ss:$0x1], $0xffff;
	v17 =	vmctz.xlane vm1;
	vm1 =	vgt.f32 v14, $5.000000000e-01;
	v10 =	vsel vm0, v15, v9  }
0xbd: {  	s30 =	simm.s32 $0x400;
	s20 =	simm.s32 $0x0;
	v15 =	vld.idx.msk [tilespmem:v8+s21+$0x10024 ss:$0x1], $0xffff;
	v14 =	vsel vm0, v16, v9;
	v18 =	vmctz.xlane vm1;
	v16 =	vimm.s32 $0x0  }
.LBB2_12:
0xbe: {  	s21 =	sshra.s32 s30, $0x2;
	p1 =	sne.s32 s30, $0x1E00;
	s30 =	sadd.s32 $0x200, s30;
	v9 =	vsel vm0, v17, v9  }
.Ltmp6:
0xbf: {  	vm1 =	vgt.f32 v11, $5.000000000e-01;
	s20 =	sadd.s32 $0x1, s20;
	v11 =	vld.idx.msk [tilespmem:v8+s21+$0x10034 ss:$0x1], $0xffff;
	v16 =	vsel vm0, v18, v16;
	(pc) =	sbr.rel @p1 .LBB2_12-.Ltmp6, $4  }
0xc0: {  	v17 =	vmov s20;
	vm2 =	vgt.f32 v12, $5.000000000e-01;
	v18 =	vmctz.xlane vm1;
	v12 =	vld.idx.msk [tilespmem:v8+s21+$0x10004 ss:$0x1], $0xffff  }
0xc1: {  	vm0 =	veq.s32 v17, v0;
	v19 =	vmctz.xlane vm2;
	vm1 =	vgt.f32 v13, $5.000000000e-01;
	v13 =	vld.idx.msk [tilespmem:v8+s21+$0x10014 ss:$0x1], $0xffff  }
0xc2: {  	v17 =	vmctz.xlane vm1;
	vm1 =	vgt.f32 v15, $5.000000000e-01;
	v10 =	vsel vm0, v18, v10;
	v15 =	vld.idx.msk [tilespmem:v8+s21+$0x10024 ss:$0x1], $0xffff  }
0xc3: {  	v14 =	vsel vm0, v19, v14;
	v18 =	vmctz.xlane vm1  }
0xc4: {  	v8 =	vsel vm0, v17, v9;
	vm1 =	vgt.f32 v11, $5.000000000e-01  }
0xc5: {  	s20 =	sadd.s32 $0x1, s20;
	vm13 =	vgt.f32 v6, $5.000000000e-01;
	vm2 =	vgt.f32 v7, $5.000000000e-01;
	vm14 =	vgt.f32 v5, $5.000000000e-01  }
0xc6: {  	vm3 =	vge.f32 v4, $5.000000000e-01;
	v49 =	vsel vm0, v18, v16;
	v50 =	vmov s20  }
0xc7: {  	vm9 =	vgt.f32 v12, $5.000000000e-01;
	v51 =	vmctz.xlane vm1;
	vm2 =	vmor vm13, vm2  }
0xc8: {  	v52 =	vmctz.xlane vm9;
	vm10 =	vgt.f32 v13, $5.000000000e-01;
	vm12 =	vgt.f32 v15, $5.000000000e-01  }
0xc9: {  	vm11 =	veq.s32 v50, v0;
	v53 =	vmctz.xlane vm10;
	v55 =	vmctz.xlane vm12  }
0xca: {  	vm2 =	vmor vm14, vm2;
	v10 =	vsel vm11, v51, v10;
	v54 =	vsel vm11, v52, v14  }
0xcb: {  	v59 =	vand.u32 $0xF, v10;
	v8 =	vsel vm11, v53, v8;
	v56 =	vsel vm11, v55, v49  }
0xcc: {  	v57 =	vand.u32 $0xF, v54;
	v58 =	vand.u32 $0xF, v8;
	v6 =	vand.u32 $0xF, v56  }
0xcd: {  	v62 =	vor.u32 v58, v59;
	v61 =	vor.u32 v57, v6;
	v4 =	vxor.u32 v57, v6  }
0xce: {  	v5 =	vxor.u32 v58, v59;
	v60 =	vand.u32 v54, v6;
	v4 =	vsel vm13, v61, v4  }
0xcf: {  	v7 =	vand.u32 v8, v59;
	v5 =	vsel vm13, v62, v5;
	v4 =	vsel vm14, v60, v4  }
0xd0: {  	vm15 =	vmand vm3, vm2;
	v5 =	vsel vm14, v7, v5;
	v4 =	vadd.s32 v3, v4  }
0xd1: {  	s28 =	sadd.s32 $0x1, s28;
	v3 =	vadd.s32 v3, v5;
	v4 =	vadd.s32 $0x44, v4  }
0xd2: {  	p1 =	sne.s32 s28, $0x10;
	v3 =	vadd.s32 $0x54, v3  }
.Ltmp7:
0xd3: {  	_ = 	snop;
	(pc) =	sbr.rel @p1 .LBB2_11-.Ltmp7, $3  }
0xd4: {  	_ =	sdelay $0x1  }
0xd5: {  	[tilespmem:v4+s26+$0x0] =	vst.idx.add.f32.msk vm15, v2  }
0xd6: {  	s16 =	sadd.s32 $0x800, s16;
	[tilespmem:v3+s26+$0x0] =	vst.idx.add.f32.msk vm15, v2  }
0xd7: {  	s13 =	sadd.s32 $0x10000, s12  }
0xd8: {  	s13 =	sshrl.u32 s13, $0x3  }
0xd9: {  	s13 =	sadd.s32 s6, s13  }
0xda: {  	[hbm4b:s13+s2] =	stream.linear.scatter [tilespmem:s26], [sflag:$0x7], $0x8000, $0x38;
	v63 =	vld [tilespmem:$0x0]  }
0xdb: {  	s16 =	sadd.s32 @!p0 s8, s19;
	s13 =	simm.s32 @!p0 $0x6  }
0xdc: {  	s16 =	sshll.u32 @!p0 s16, $0x7;
	_ =	swait.ge @!p0 [sflag:s13], $0x8000  }
0xdd: {  	s20 =	sadd.s32 @!p0 s3, s16;
	[sflag:s13] =	ssyncset.done @!p0 $0x0  }
0xde: {  	[sflag:s13] =	ssyncadd.s32 @!p0 $0xFFFF8000;
	s13 =	sshrl.u32 @!p0 s20, $0x3  }
0xdf: {  	s21 =	simm.s32 @!p0 $0x8000;
	s20 =	simm.s32 @!p0 $0x0;
	s13 =	sadd.s32 @!p0 s4, s13  }
0xe0: {  	[tilespmem:s21], [sflag:$0x2] =	stream.linear.gather @!p0 [hbm4b:s13+s20], $0x4000, $0x38;
	v63 =	vld [tilespmem:$0x0]  }
0xe1: {  	s13 =	sadd.s32 @!p0 s16, s18  }
0xe2: {  	s13 =	sshrl.u32 @!p0 s13, $0x3  }
0xe3: {  	s16 =	simm.s32 @!p0 $0xC000;
	s13 =	sadd.s32 @!p0 s4, s13  }
0xe4: {  	[tilespmem:s16], [sflag:$0xA] =	stream.linear.gather @!p0 [hbm4b:s13+s20], $0x4000, $0x38;
	v63 =	vld [tilespmem:$0x0]  }
0xe5: {  	_ =	swait.ge [sflag:s10], $0x4000  }
0xe6: {  	[sflag:s10] =	ssyncset.done $0x0  }
0xe7: {  	[sflag:s10] =	ssyncadd.s32 $0xFFFFC000  }
0xe8: {  	_ =	swait.ge [sflag:s11], $0x4000  }
0xe9: {  	s28 =	simm.s32 $0x0;
	[sflag:s11] =	ssyncset.done $0x0  }
0xea: {  	s13 =	simm.s32 $0x0;
	s16 =	simm.s32 $0x0;
	[sflag:s11] =	ssyncadd.s32 $0xFFFFC000  }
.LBB2_15:
0xeb: {  	v8 =	vmov s16;
	_ =	sdelay $0x1  }
0xec: {  	s20 =	sshll.u32 s28, $0x4  }
0xed: {  	v3 =	vmov s20  }
0xee: {  	s21 =	simm.s32 $0x0;
	v3 =	vshll.u32 v3, $0x7  }
0xef: {  	v3 =	vor.u32 v1, v3;
	v10 =	vld.idx.msk [tilespmem:v8+s21+$0x18034 ss:$0x1], $0xffff  }
0xf0: {  	v5 =	vor.u32 $0x1, v3;
	v12 =	vld.idx.msk [tilespmem:v8+s21+$0x18004 ss:$0x1], $0xffff  }
0xf1: {  	v6 =	vor.u32 $0x2, v3;
	v13 =	vld.idx.msk [tilespmem:v8+s21+$0x18014 ss:$0x1], $0xffff  }
0xf2: {  	v7 =	vor.u32 $0x3, v3;
	v14 =	vld.idx.msk [tilespmem:v8+s21+$0x18024 ss:$0x1], $0xffff;
	s21 =	simm.s32 $0x80  }
0xf3: {  	v11 =	vld.idx.msk [tilespmem:v8+s21+$0x18034 ss:$0x1], $0xffff  }
0xf4: {  	v4 =	vld.idx.msk [tilespmem:v3+s29+$0x0], $0xffff  }
0xf5: {  	v5 =	vld.idx.msk [tilespmem:v5+s29+$0x0], $0xffff  }
0xf6: {  	v9 =	vimm.s32 $0x0;
	v6 =	vld.idx.msk [tilespmem:v6+s29+$0x0], $0xffff;
	vm0 =	vgt.f32 v10, $5.000000000e-01  }
0xf7: {  	v7 =	vld.idx.msk [tilespmem:v7+s29+$0x0], $0xffff;
	v10 =	vmov s13;
	vm1 =	vgt.f32 v12, $5.000000000e-01;
	v15 =	vmctz.xlane vm0  }
0xf8: {  	v12 =	vld.idx.msk [tilespmem:v8+s21+$0x18004 ss:$0x1], $0xffff;
	vm0 =	veq.s32 v10, v0;
	v16 =	vmctz.xlane vm1;
	vm1 =	vgt.f32 v13, $5.000000000e-01  }
0xf9: {  	v13 =	vld.idx.msk [tilespmem:v8+s21+$0x18014 ss:$0x1], $0xffff;
	v17 =	vmctz.xlane vm1;
	vm1 =	vgt.f32 v14, $5.000000000e-01;
	v10 =	vsel vm0, v15, v9  }
0xfa: {  	s30 =	simm.s32 $0x400;
	s20 =	simm.s32 $0x0;
	v15 =	vld.idx.msk [tilespmem:v8+s21+$0x18024 ss:$0x1], $0xffff;
	v14 =	vsel vm0, v16, v9;
	v18 =	vmctz.xlane vm1;
	v16 =	vimm.s32 $0x0  }
.LBB2_16:
0xfb: {  	s21 =	sshra.s32 s30, $0x2;
	p1 =	sne.s32 s30, $0x1E00;
	s30 =	sadd.s32 $0x200, s30;
	v9 =	vsel vm0, v17, v9  }
.Ltmp8:
0xfc: {  	vm1 =	vgt.f32 v11, $5.000000000e-01;
	s20 =	sadd.s32 $0x1, s20;
	v11 =	vld.idx.msk [tilespmem:v8+s21+$0x18034 ss:$0x1], $0xffff;
	v16 =	vsel vm0, v18, v16;
	(pc) =	sbr.rel @p1 .LBB2_16-.Ltmp8, $4  }
0xfd: {  	v17 =	vmov s20;
	vm2 =	vgt.f32 v12, $5.000000000e-01;
	v18 =	vmctz.xlane vm1;
	v12 =	vld.idx.msk [tilespmem:v8+s21+$0x18004 ss:$0x1], $0xffff  }
0xfe: {  	vm0 =	veq.s32 v17, v0;
	v19 =	vmctz.xlane vm2;
	vm1 =	vgt.f32 v13, $5.000000000e-01;
	v13 =	vld.idx.msk [tilespmem:v8+s21+$0x18014 ss:$0x1], $0xffff  }
0xff: {  	v17 =	vmctz.xlane vm1;
	vm1 =	vgt.f32 v15, $5.000000000e-01;
	v10 =	vsel vm0, v18, v10;
	v15 =	vld.idx.msk [tilespmem:v8+s21+$0x18024 ss:$0x1], $0xffff  }
0x100: {  	v14 =	vsel vm0, v19, v14;
	v18 =	vmctz.xlane vm1  }
0x101: {  	v8 =	vsel vm0, v17, v9;
	vm1 =	vgt.f32 v11, $5.000000000e-01  }
0x102: {  	s20 =	sadd.s32 $0x1, s20;
	vm13 =	vgt.f32 v6, $5.000000000e-01;
	vm2 =	vgt.f32 v7, $5.000000000e-01;
	vm14 =	vgt.f32 v5, $5.000000000e-01  }
0x103: {  	vm3 =	vge.f32 v4, $5.000000000e-01;
	v49 =	vsel vm0, v18, v16;
	v50 =	vmov s20  }
0x104: {  	vm9 =	vgt.f32 v12, $5.000000000e-01;
	v51 =	vmctz.xlane vm1;
	vm2 =	vmor vm13, vm2  }
0x105: {  	v52 =	vmctz.xlane vm9;
	vm10 =	vgt.f32 v13, $5.000000000e-01;
	vm12 =	vgt.f32 v15, $5.000000000e-01  }
0x106: {  	vm11 =	veq.s32 v50, v0;
	v53 =	vmctz.xlane vm10;
	v55 =	vmctz.xlane vm12  }
0x107: {  	vm2 =	vmor vm14, vm2;
	v10 =	vsel vm11, v51, v10;
	v54 =	vsel vm11, v52, v14  }
0x108: {  	v59 =	vand.u32 $0xF, v10;
	v8 =	vsel vm11, v53, v8;
	v56 =	vsel vm11, v55, v49  }
0x109: {  	v57 =	vand.u32 $0xF, v54;
	v58 =	vand.u32 $0xF, v8;
	v6 =	vand.u32 $0xF, v56  }
0x10a: {  	v62 =	vor.u32 v58, v59;
	v61 =	vor.u32 v57, v6;
	v4 =	vxor.u32 v57, v6  }
0x10b: {  	v5 =	vxor.u32 v58, v59;
	v60 =	vand.u32 v54, v6;
	v4 =	vsel vm13, v61, v4  }
0x10c: {  	v7 =	vand.u32 v8, v59;
	v5 =	vsel vm13, v62, v5;
	v4 =	vsel vm14, v60, v4  }
0x10d: {  	vm15 =	vmand vm3, vm2;
	v5 =	vsel vm14, v7, v5;
	v4 =	vadd.s32 v3, v4  }
0x10e: {  	s28 =	sadd.s32 $0x1, s28;
	v3 =	vadd.s32 v3, v5;
	v4 =	vadd.s32 $0x44, v4  }
0x10f: {  	p1 =	sne.s32 s28, $0x10;
	v3 =	vadd.s32 $0x54, v3  }
.Ltmp9:
0x110: {  	_ = 	snop;
	(pc) =	sbr.rel @p1 .LBB2_15-.Ltmp9, $3  }
0x111: {  	_ =	sdelay $0x1  }
0x112: {  	[tilespmem:v4+s29+$0x0] =	vst.idx.add.f32.msk vm15, v2  }
0x113: {  	s16 =	sadd.s32 $0x800, s16;
	[tilespmem:v3+s29+$0x0] =	vst.idx.add.f32.msk vm15, v2  }
.Ltmp10:
0x114: {  	(pc) =	sbr.rel @p0 .LBB2_20-.Ltmp10, $4  }
0x115: {  	s12 =	sadd.s32 $0x18000, s12  }
0x116: {  	s12 =	sshrl.u32 s12, $0x3  }
0x117: {  	s12 =	sadd.s32 s6, s12  }
0x118: {  	[hbm4b:s12+s2] =	stream.linear.scatter [tilespmem:s29], [sflag:$0x8], $0x8000, $0x38;
	v63 =	vld [tilespmem:$0x0]  }
0x119: {  	s12 =	rddreg [dreg:$0xa]  }
0x11a: {  	s12 =	sadd.s32 s8, s12  }
0x11b: {  	_ =	swait.ge [sflag:s14], $0x8000;
	s12 =	sshll.u32 s12, $0x7  }
0x11c: {  	[sflag:s14] =	ssyncset.done $0x0;
	s20 =	rddreg [dreg:$0xb];
	s13 =	sadd.s32 s3, s12  }
0x11d: {  	[sflag:s14] =	ssyncadd.s32 $0xFFFF8000;
	s12 =	sadd.s32 s12, s18;
	s13 =	sshrl.u32 s13, $0x3  }
0x11e: {  	s21 =	sadd.s32 s8, s20;
	s12 =	sshrl.u32 s12, $0x3;
	s13 =	sadd.s32 s4, s13  }
0x11f: {  	[tilespmem:s26], [sflag:$0x3] =	stream.linear.gather [hbm4b:s13+s2], $0x4000, $0x38;
	v63 =	vld [tilespmem:$0x0]  }
0x120: {  	s16 =	simm.s32 $0x14000;
	s8 =	sshll.u32 s21, $0x7;
	s12 =	sadd.s32 s4, s12  }
0x121: {  	[tilespmem:s16], [sflag:$0xB] =	stream.linear.gather [hbm4b:s12+s2], $0x4000, $0x38;
	v63 =	vld [tilespmem:$0x0]  }
0x122: {  	s28 =	sadd.s32 s3, s8;
	s8 =	sadd.s32 s8, s18;
	_ =	swait.ge [sflag:s15], $0x8000  }
.Ltmp11:
0x123: {  	s12 =	sshrl.u32 s28, $0x3;
	[sflag:s15] =	ssyncset.done $0x0;
	(pc) =	sbr.rel .LBB2_2-.Ltmp11, $4  }
0x124: {  	s8 =	sshrl.u32 s8, $0x3;
	s12 =	sadd.s32 s4, s12;
	[sflag:s15] =	ssyncadd.s32 $0xFFFF8000  }
0x125: {  	[tilespmem:s29], [sflag:$0x4] =	stream.linear.gather [hbm4b:s12+s2], $0x4000, $0x38;
	v63 =	vld [tilespmem:$0x0]  }
0x126: {  	s30 =	simm.s32 $0x1C000;
	s22 =	sadd.s32 $0x1, s22;
	s8 =	sadd.s32 s4, s8  }
0x127: {  	[tilespmem:s30], [sflag:$0xC] =	stream.linear.gather [hbm4b:s8+s2], $0x4000, $0x38;
	v63 =	vld [tilespmem:$0x0]  }
.LBB2_21:
0x128: {  	_ =	sfence.sel $0x180000  }
0x129: {  	[bflag:$0x0] =	sbarrier.arrive $0xFFFF  }
0x12a: {  	_ =	strace $0x90000047  }
0x12b: {  	s0 =	stileid.u32;
	[bflag:$0x2] =	sbarrier.arrive $0xFFFF  }
0x12c: {  	p0 =	sne.s32 s0, $0x0;
	s0 =	rddreg [dreg:$0x1]  }
0x12d: {  	s0 =	sadd.s32 @!p0 $0x100000, s0  }
0x12e: {  	[sflag:s0] =	ssyncadd.tile.s32 @!p0 $0x1;
	_ =	shalt  }
.Lfunc_end2:
_tile_overlayer_lowered:
.L_overlay_start_2:
0x12f: {  	(tag) =	ssettag $0x2  }
0x130: {  	s0 =	rddreg [dreg:$0x0];
	s2 =	stileid.u32  }
0x131: {  	s1 =	rddreg [dreg:$0x1];
	p0 =	sne.s32 s2, $0x0  }
0x132: {  	s3 =	rddreg [dreg:$0x2];
	[bflag:$0x3] =	sbarrier.arrive $0xFFFF;
	s2 =	simm.s32 @!p0 $0x1C0D  }
0x133: {  	[timem:s3], [sflag:s2] =	dma.local @!p0 [hbm:s0], s1  }
0x134: {  	s0 =	simm.s32 @!p0 $0xD  }
0x135: {  	_ =	swait.ge @!p0 [sflag:s0], s1  }
0x136: {  	s1 =	ssub.s32 @!p0 $0x0, s1;
	[sflag:s0] =	ssyncset.done @!p0 $0x0  }
0x137: {  	[sflag:s0] =	ssyncadd.s32 @!p0 s1  }
0x138: {  	[bflag:$0x3] =	sbarrier.arrive $0xFFFF  }
0x139: {  	_ =	shalt  }

</sc_bundles>
